<compile_context>
chip_gen: v7x
topology: tpu7x:2x2x1
jax: 0.10.2.dev20260603
libtpu: 0.0.44.dev20260713+nightly
codegen_flags: <defaults>
</compile_context>

<pallas_src>
import functools

import jax
import jax.numpy as jnp
from jax import lax
from jax.experimental import pallas as pl
from jax.experimental.pallas import tpu as pltpu
from jax.experimental.pallas import tpu_sc as plsc

NC = 2
NS = 16
NW = NC * NS
L = 16


def _make_gather(B, H, V, D):
    bw = B // NW
    ng = bw // L
    mesh = plsc.VectorSubcoreMesh(core_axis_name="c", subcore_axis_name="s")

    @functools.partial(
        pl.kernel,
        mesh=mesh,
        out_type=jax.ShapeDtypeStruct((H, D, B), jnp.float32),
        scratch_types=[
            pltpu.VMEM((H, bw), jnp.int32),
            pltpu.VMEM((4, bw, D), jnp.float32),
            pltpu.VMEM((2, D, bw + 9), jnp.float32),
            pltpu.SemaphoreType.DMA((4,)),
            pltpu.SemaphoreType.DMA((2,)),
        ],
        compiler_params=pltpu.CompilerParams(
            use_tc_tiling_on_sc=False, needs_layout_passes=False
        ),
    )
    def k(idx_hbm, table_hbm, out_hbm, idx_v, buf, bt, sem_g, sem_s):
        wid = lax.axis_index("s") * NC + lax.axis_index("c")
        col0 = wid * bw
        pltpu.sync_copy(idx_hbm.at[:, pl.ds(col0, bw)], idx_v)

        rows_lo = lax.iota(jnp.int32, L)
        rows_hi = rows_lo + L

        def fire(h, p):
            pltpu.async_copy(
                table_hbm.at[idx_v.at[h]], buf.at[p], sem_g.at[p]
            )

        def wait_gather(p):
            pltpu.make_async_copy(
                table_hbm.at[pl.ds(0, bw)], buf.at[p], sem_g.at[p]
            ).wait()

        def transpose(p, q):
            def body(c, carry):
                cols = jnp.full((L,), c, jnp.int32)
                v_lo = buf[p, c, pl.ds(0, L)]
                v_hi = buf[p, c, pl.ds(L, L)]
                plsc.store_scatter(bt.at[q], [rows_lo, cols], v_lo)
                plsc.store_scatter(bt.at[q], [rows_hi, cols], v_hi)
                return carry

            lax.fori_loop(0, bw, body, 0, unroll=8)

        def store(h, q):
            pltpu.async_copy(
                bt.at[q, :, pl.ds(0, bw)],
                out_hbm.at[h, :, pl.ds(col0, bw)],
                sem_s.at[q],
            )

        def wait_store(q):
            pltpu.make_async_copy(
                bt.at[q, :, pl.ds(0, bw)],
                out_hbm.at[0, :, pl.ds(col0, bw)],
                sem_s.at[q],
            ).wait()

        for p in range(4):
            fire(p, p)

        def body(i, carry):
            h0 = i * 4
            for p in range(4):
                q = p % 2
                wait_gather(p)

                if p >= 2:
                    wait_store(q)
                else:

                    @pl.when(i > 0)
                    def _():
                        wait_store(q)

                transpose(p, q)

                @pl.when(i < H // 4 - 1)
                def _():
                    fire(h0 + 4 + p, p)

                store(h0 + p, q)
            return carry

        lax.fori_loop(0, H // 4, body, 0, unroll=False)
        wait_store(0)
        wait_store(1)

    return k


def kernel(x, W):
    B, H = x.shape
    V, D = W.shape
    out_t = _make_gather(B, H, V, D)(x.T.astype(jnp.int32), W)
    return jnp.transpose(out_t, (2, 0, 1))

# --- scband reference (transcript-rebuilt; emitter-appended) ---
"""Pipeline reference for scband-embedding-1752346656949 (READ-ONLY COPY).

The authoritative reference and input builder live on the scoring server;
editing this copy changes nothing except your own understanding.
"""

import jax, jax.numpy as jnp
import numpy as np

VOCAB = 1000000
EMBED = 32
BATCH = 4096
HIST = 200

def setup_inputs(seed: int = 0) -> dict:
    key = jax.random.key(seed)
    k1, k2 = jax.random.split(key)
    x = jax.random.randint(k1, (BATCH, HIST), 0, VOCAB, dtype=jnp.int64 if jax.config.jax_enable_x64 else jnp.int32)
    stdv = 1.0 / np.sqrt(EMBED)
    W = jax.random.uniform(k2, (VOCAB, EMBED), minval=-stdv, maxval=stdv, dtype=jnp.float32)
    return {"x": x, "W": W}

def reference(x, W):
    # Embedding.forward: embeded = self.W[x]; scale_embedding=False so no scaling
    embeded = jnp.take(W, x, axis=0)
    return embeded

if __name__ == "__main__":
    import jax
    _d = setup_inputs()
    print(jax.jit(kernel)(*tuple(_d.values())))

</pallas_src>

<mosaic_0001>
#map = affine_map<(d0, d1) -> (0, 0)>
#map1 = affine_map<(d0, d1) -> (0, 0, 0)>
module attributes {stable_mosaic.version = 14 : i64} {
  func.func @k(%arg0: i32, %arg1: i32, %arg2: memref<200x4096xi32, #tpu.memory_space<hbm>>, %arg3: memref<1000000x32xf32, #tpu.memory_space<hbm>>, %arg4: memref<200x32x4096xf32, #tpu.memory_space<hbm>>, %arg5: memref<200x128xi32, #tpu.memory_space<vmem>>, %arg6: memref<4x128x32xf32, #tpu.memory_space<vmem>>, %arg7: memref<2x32x137xf32, #tpu.memory_space<vmem>>, %arg8: memref<4x!tpu.dma_semaphore, #tpu.memory_space<semaphore_mem>>, %arg9: memref<2x!tpu.dma_semaphore, #tpu.memory_space<semaphore_mem>>) attributes {dimension_semantics = [#tpu.dimension_semantics<core_parallel>, #tpu.dimension_semantics<subcore_parallel>], iteration_bounds = array<i64: 2, 16>, scalar_prefetch = 0 : i64, scratch_operands = 5 : i64, tpu.core_type = #tpu.core_type<sc_vector_subcore>, window_params = [{transform_indices = #map}, {transform_indices = #map}, {transform_indices = #map1}]} {
    %mul3A = arith.constant 2 : i32
    %mul3A_0 = arith.muli %arg1, %mul3A : i32
    %add3A = arith.addi %mul3A_0, %arg0 : i32
    %mul3A_1 = arith.constant 128 : i32
    %mul3A_2 = arith.muli %add3A, %mul3A_1 : i32
    "tpu.region"() ({
      %run_scoped3A = tpu.sem_alloc : memref<!tpu.dma_semaphore, #tpu.memory_space<semaphore_mem>>
      %dma_start3A_107 = arith.constant 0 : i32
      %dma_start3A_108 = tpu.memref_slice %arg2[%dma_start3A_107, %mul3A_2] : memref<200x4096xi32, #tpu.memory_space<hbm>> -> memref<200x128xi32, #tpu.memory_space<hbm>>
      %dma_start3A_109 = arith.constant 0 : i32
      %dma_start3A_110 = tpu.memref_slice %arg2[%dma_start3A_109, %mul3A_2] : memref<200x4096xi32, #tpu.memory_space<hbm>> -> memref<200x128xi32, #tpu.memory_space<hbm>>
      tpu.enqueue_dma source(%dma_start3A_110 : memref<200x128xi32, #tpu.memory_space<hbm>>) target(%arg5 : memref<200x128xi32, #tpu.memory_space<vmem>>) target_semaphore(%run_scoped3A : memref<!tpu.dma_semaphore, #tpu.memory_space<semaphore_mem>>)
      %dma_wait3A_111 = arith.constant 0 : i32
      %dma_wait3A_112 = tpu.memref_slice %arg2[%dma_wait3A_111, %mul3A_2] : memref<200x4096xi32, #tpu.memory_space<hbm>> -> memref<200x128xi32, #tpu.memory_space<hbm>>
      %dma_wait3A_113 = arith.constant 0 : i32
      %dma_wait3A_114 = tpu.memref_slice %arg2[%dma_wait3A_113, %mul3A_2] : memref<200x4096xi32, #tpu.memory_space<hbm>> -> memref<200x128xi32, #tpu.memory_space<hbm>>
      tpu.wait_dma2 semaphore(%run_scoped3A : memref<!tpu.dma_semaphore, #tpu.memory_space<semaphore_mem>>) src(%dma_wait3A_114 : memref<200x128xi32, #tpu.memory_space<hbm>>) dst(%arg5 : memref<200x128xi32, #tpu.memory_space<vmem>>)
      tpu.yield
    }) : () -> ()
    %iota3A = tpu.iota {dimensions = array<i32: 0>} : vector<16xi32>
    %add3A_3 = arith.constant 16 : i32
    %add3A_4 = vector.broadcast %add3A_3 : i32 to vector<16xi32>
    %add3A_5 = arith.addi %iota3A, %add3A_4 : vector<16xi32>
    %dma_start3A = arith.constant 0 : i32
    %dma_start3A_6 = arith.constant 0 : i32
    %dma_start3A_7 = arith.constant 0 : i32
    %dma_start3A_8 = arith.constant 0 : i32
    %dma_start3A_9 = arith.constant 0 : i32
    %dma_start3A_10 = tpu.memref_slice %arg6[%dma_start3A_6, %dma_start3A_8, %dma_start3A_9] : memref<4x128x32xf32, #tpu.memory_space<vmem>> -> memref<1x128x32xf32, #tpu.memory_space<vmem>>
    %dma_start3A_11 = tpu.memref_squeeze %dma_start3A_10 : memref<1x128x32xf32, #tpu.memory_space<vmem>> -> memref<128x32xf32, #tpu.memory_space<vmem>>
    %dma_start3A_12 = arith.constant 0 : i32
    %dma_start3A_13 = tpu.memref_slice %arg5[%dma_start3A, %dma_start3A_12] : memref<200x128xi32, #tpu.memory_space<vmem>> -> memref<1x128xi32, #tpu.memory_space<vmem>>
    %dma_start3A_14 = tpu.memref_squeeze %dma_start3A_13 : memref<1x128xi32, #tpu.memory_space<vmem>> -> memref<128xi32, #tpu.memory_space<vmem>>
    %dma_start3A_15 = arith.constant 0 : i32
    %dma_start3A_16 = arith.constant 0 : i32
    %dma_start3A_17 = tpu.memref_slice %arg3[%dma_start3A_15, %dma_start3A_16] : memref<1000000x32xf32, #tpu.memory_space<hbm>> -> memref<1000000x32xf32, #tpu.memory_space<hbm>>
    %dma_start3A_18 = tpu.memref_slice %arg8[%dma_start3A_7] : memref<4x!tpu.dma_semaphore, #tpu.memory_space<semaphore_mem>> -> memref<1x!tpu.dma_semaphore, #tpu.memory_space<semaphore_mem>>
    %dma_start3A_19 = tpu.memref_squeeze %dma_start3A_18 : memref<1x!tpu.dma_semaphore, #tpu.memory_space<semaphore_mem>> -> memref<!tpu.dma_semaphore, #tpu.memory_space<semaphore_mem>>
    tpu.enqueue_indirect_dma source(%dma_start3A_17 : memref<1000000x32xf32, #tpu.memory_space<hbm>>) target(%dma_start3A_11 : memref<128x32xf32, #tpu.memory_space<vmem>>) offsets(%dma_start3A_14 : memref<128xi32, #tpu.memory_space<vmem>>) semaphore(%dma_start3A_19 : memref<!tpu.dma_semaphore, #tpu.memory_space<semaphore_mem>>)
    %dma_start3A_20 = arith.constant 1 : i32
    %dma_start3A_21 = arith.constant 1 : i32
    %dma_start3A_22 = arith.constant 1 : i32
    %dma_start3A_23 = arith.constant 0 : i32
    %dma_start3A_24 = arith.constant 0 : i32
    %dma_start3A_25 = tpu.memref_slice %arg6[%dma_start3A_21, %dma_start3A_23, %dma_start3A_24] : memref<4x128x32xf32, #tpu.memory_space<vmem>> -> memref<1x128x32xf32, #tpu.memory_space<vmem>>
    %dma_start3A_26 = tpu.memref_squeeze %dma_start3A_25 : memref<1x128x32xf32, #tpu.memory_space<vmem>> -> memref<128x32xf32, #tpu.memory_space<vmem>>
    %dma_start3A_27 = arith.constant 0 : i32
    %dma_start3A_28 = tpu.memref_slice %arg5[%dma_start3A_20, %dma_start3A_27] : memref<200x128xi32, #tpu.memory_space<vmem>> -> memref<1x128xi32, #tpu.memory_space<vmem>>
    %dma_start3A_29 = tpu.memref_squeeze %dma_start3A_28 : memref<1x128xi32, #tpu.memory_space<vmem>> -> memref<128xi32, #tpu.memory_space<vmem>>
    %dma_start3A_30 = arith.constant 0 : i32
    %dma_start3A_31 = arith.constant 0 : i32
    %dma_start3A_32 = tpu.memref_slice %arg3[%dma_start3A_30, %dma_start3A_31] : memref<1000000x32xf32, #tpu.memory_space<hbm>> -> memref<1000000x32xf32, #tpu.memory_space<hbm>>
    %dma_start3A_33 = tpu.memref_slice %arg8[%dma_start3A_22] : memref<4x!tpu.dma_semaphore, #tpu.memory_space<semaphore_mem>> -> memref<1x!tpu.dma_semaphore, #tpu.memory_space<semaphore_mem>>
    %dma_start3A_34 = tpu.memref_squeeze %dma_start3A_33 : memref<1x!tpu.dma_semaphore, #tpu.memory_space<semaphore_mem>> -> memref<!tpu.dma_semaphore, #tpu.memory_space<semaphore_mem>>
    tpu.enqueue_indirect_dma source(%dma_start3A_32 : memref<1000000x32xf32, #tpu.memory_space<hbm>>) target(%dma_start3A_26 : memref<128x32xf32, #tpu.memory_space<vmem>>) offsets(%dma_start3A_29 : memref<128xi32, #tpu.memory_space<vmem>>) semaphore(%dma_start3A_34 : memref<!tpu.dma_semaphore, #tpu.memory_space<semaphore_mem>>)
    %dma_start3A_35 = arith.constant 2 : i32
    %dma_start3A_36 = arith.constant 2 : i32
    %dma_start3A_37 = arith.constant 2 : i32
    %dma_start3A_38 = arith.constant 0 : i32
    %dma_start3A_39 = arith.constant 0 : i32
    %dma_start3A_40 = tpu.memref_slice %arg6[%dma_start3A_36, %dma_start3A_38, %dma_start3A_39] : memref<4x128x32xf32, #tpu.memory_space<vmem>> -> memref<1x128x32xf32, #tpu.memory_space<vmem>>
    %dma_start3A_41 = tpu.memref_squeeze %dma_start3A_40 : memref<1x128x32xf32, #tpu.memory_space<vmem>> -> memref<128x32xf32, #tpu.memory_space<vmem>>
    %dma_start3A_42 = arith.constant 0 : i32
    %dma_start3A_43 = tpu.memref_slice %arg5[%dma_start3A_35, %dma_start3A_42] : memref<200x128xi32, #tpu.memory_space<vmem>> -> memref<1x128xi32, #tpu.memory_space<vmem>>
    %dma_start3A_44 = tpu.memref_squeeze %dma_start3A_43 : memref<1x128xi32, #tpu.memory_space<vmem>> -> memref<128xi32, #tpu.memory_space<vmem>>
    %dma_start3A_45 = arith.constant 0 : i32
    %dma_start3A_46 = arith.constant 0 : i32
    %dma_start3A_47 = tpu.memref_slice %arg3[%dma_start3A_45, %dma_start3A_46] : memref<1000000x32xf32, #tpu.memory_space<hbm>> -> memref<1000000x32xf32, #tpu.memory_space<hbm>>
    %dma_start3A_48 = tpu.memref_slice %arg8[%dma_start3A_37] : memref<4x!tpu.dma_semaphore, #tpu.memory_space<semaphore_mem>> -> memref<1x!tpu.dma_semaphore, #tpu.memory_space<semaphore_mem>>
    %dma_start3A_49 = tpu.memref_squeeze %dma_start3A_48 : memref<1x!tpu.dma_semaphore, #tpu.memory_space<semaphore_mem>> -> memref<!tpu.dma_semaphore, #tpu.memory_space<semaphore_mem>>
    tpu.enqueue_indirect_dma source(%dma_start3A_47 : memref<1000000x32xf32, #tpu.memory_space<hbm>>) target(%dma_start3A_41 : memref<128x32xf32, #tpu.memory_space<vmem>>) offsets(%dma_start3A_44 : memref<128xi32, #tpu.memory_space<vmem>>) semaphore(%dma_start3A_49 : memref<!tpu.dma_semaphore, #tpu.memory_space<semaphore_mem>>)
    %dma_start3A_50 = arith.constant 3 : i32
    %dma_start3A_51 = arith.constant 3 : i32
    %dma_start3A_52 = arith.constant 3 : i32
    %dma_start3A_53 = arith.constant 0 : i32
    %dma_start3A_54 = arith.constant 0 : i32
    %dma_start3A_55 = tpu.memref_slice %arg6[%dma_start3A_51, %dma_start3A_53, %dma_start3A_54] : memref<4x128x32xf32, #tpu.memory_space<vmem>> -> memref<1x128x32xf32, #tpu.memory_space<vmem>>
    %dma_start3A_56 = tpu.memref_squeeze %dma_start3A_55 : memref<1x128x32xf32, #tpu.memory_space<vmem>> -> memref<128x32xf32, #tpu.memory_space<vmem>>
    %dma_start3A_57 = arith.constant 0 : i32
    %dma_start3A_58 = tpu.memref_slice %arg5[%dma_start3A_50, %dma_start3A_57] : memref<200x128xi32, #tpu.memory_space<vmem>> -> memref<1x128xi32, #tpu.memory_space<vmem>>
    %dma_start3A_59 = tpu.memref_squeeze %dma_start3A_58 : memref<1x128xi32, #tpu.memory_space<vmem>> -> memref<128xi32, #tpu.memory_space<vmem>>
    %dma_start3A_60 = arith.constant 0 : i32
    %dma_start3A_61 = arith.constant 0 : i32
    %dma_start3A_62 = tpu.memref_slice %arg3[%dma_start3A_60, %dma_start3A_61] : memref<1000000x32xf32, #tpu.memory_space<hbm>> -> memref<1000000x32xf32, #tpu.memory_space<hbm>>
    %dma_start3A_63 = tpu.memref_slice %arg8[%dma_start3A_52] : memref<4x!tpu.dma_semaphore, #tpu.memory_space<semaphore_mem>> -> memref<1x!tpu.dma_semaphore, #tpu.memory_space<semaphore_mem>>
    %dma_start3A_64 = tpu.memref_squeeze %dma_start3A_63 : memref<1x!tpu.dma_semaphore, #tpu.memory_space<semaphore_mem>> -> memref<!tpu.dma_semaphore, #tpu.memory_space<semaphore_mem>>
    tpu.enqueue_indirect_dma source(%dma_start3A_62 : memref<1000000x32xf32, #tpu.memory_space<hbm>>) target(%dma_start3A_56 : memref<128x32xf32, #tpu.memory_space<vmem>>) offsets(%dma_start3A_59 : memref<128xi32, #tpu.memory_space<vmem>>) semaphore(%dma_start3A_64 : memref<!tpu.dma_semaphore, #tpu.memory_space<semaphore_mem>>)
    %scan3A = arith.constant 0 : i32
    %scan3A_65 = arith.constant 0 : i32
    %scan3A_66 = arith.constant 50 : i32
    %scan3A_67 = arith.addi %scan3A_65, %scan3A_66 : i32
    %scan3A_68 = arith.constant 1 : i32
    scf.for %scan3A_107 = %scan3A_65 to %scan3A_67 step %scan3A_68  : i32 {
      %mul3A_108 = arith.constant 4 : i32
      %mul3A_109 = arith.muli %scan3A_107, %mul3A_108 : i32
      %dma_wait3A_110 = arith.constant 0 : i32
      %dma_wait3A_111 = arith.constant 0 : i32
      %dma_wait3A_112 = arith.constant 0 : i32
      %dma_wait3A_113 = arith.constant 0 : i32
      %dma_wait3A_114 = tpu.memref_slice %arg6[%dma_wait3A_110, %dma_wait3A_112, %dma_wait3A_113] : memref<4x128x32xf32, #tpu.memory_space<vmem>> -> memref<1x128x32xf32, #tpu.memory_space<vmem>>
      %dma_wait3A_115 = tpu.memref_squeeze %dma_wait3A_114 : memref<1x128x32xf32, #tpu.memory_space<vmem>> -> memref<128x32xf32, #tpu.memory_space<vmem>>
      %dma_wait3A_116 = arith.constant 0 : i32
      %dma_wait3A_117 = arith.constant 0 : i32
      %dma_wait3A_118 = tpu.memref_slice %arg3[%dma_wait3A_116, %dma_wait3A_117] : memref<1000000x32xf32, #tpu.memory_space<hbm>> -> memref<128x32xf32, #tpu.memory_space<hbm>>
      %dma_wait3A_119 = tpu.memref_slice %arg8[%dma_wait3A_111] : memref<4x!tpu.dma_semaphore, #tpu.memory_space<semaphore_mem>> -> memref<1x!tpu.dma_semaphore, #tpu.memory_space<semaphore_mem>>
      %dma_wait3A_120 = tpu.memref_squeeze %dma_wait3A_119 : memref<1x!tpu.dma_semaphore, #tpu.memory_space<semaphore_mem>> -> memref<!tpu.dma_semaphore, #tpu.memory_space<semaphore_mem>>
      %dma_wait3A_121 = arith.constant 0 : i32
      %dma_wait3A_122 = arith.constant 0 : i32
      %dma_wait3A_123 = tpu.memref_slice %arg6[%dma_wait3A_110, %dma_wait3A_121, %dma_wait3A_122] : memref<4x128x32xf32, #tpu.memory_space<vmem>> -> memref<1x128x32xf32, #tpu.memory_space<vmem>>
      %dma_wait3A_124 = tpu.memref_squeeze %dma_wait3A_123 : memref<1x128x32xf32, #tpu.memory_space<vmem>> -> memref<128x32xf32, #tpu.memory_space<vmem>>
      %dma_wait3A_125 = arith.constant 0 : i32
      %dma_wait3A_126 = arith.constant 0 : i32
      %dma_wait3A_127 = tpu.memref_slice %arg3[%dma_wait3A_125, %dma_wait3A_126] : memref<1000000x32xf32, #tpu.memory_space<hbm>> -> memref<128x32xf32, #tpu.memory_space<hbm>>
      tpu.wait_dma2 semaphore(%dma_wait3A_120 : memref<!tpu.dma_semaphore, #tpu.memory_space<semaphore_mem>>) src(%dma_wait3A_127 : memref<128x32xf32, #tpu.memory_space<hbm>>) dst(%dma_wait3A_124 : memref<128x32xf32, #tpu.memory_space<vmem>>)
      %gt3A = arith.constant 0 : i32
      %gt3A_128 = arith.cmpi sgt, %scan3A_107, %gt3A : i32
      %convert_element_type3A = arith.extui %gt3A_128 : i1 to i32
      %cond3A = arith.constant 0 : i32
      %cond3A_129 = arith.cmpi ne, %convert_element_type3A, %cond3A : i32
      scf.if %cond3A_129 {
        %dma_wait3A_350 = arith.constant 0 : i32
        %dma_wait3A_351 = arith.constant 0 : i32
        %dma_wait3A_352 = arith.constant 0 : i32
        %dma_wait3A_353 = arith.constant 0 : i32
        %dma_wait3A_354 = arith.constant 0 : i32
        %dma_wait3A_355 = tpu.memref_slice %arg7[%dma_wait3A_350, %dma_wait3A_353, %dma_wait3A_354] : memref<2x32x137xf32, #tpu.memory_space<vmem>> -> memref<1x32x128xf32, #tpu.memory_space<vmem>>
        %dma_wait3A_356 = tpu.memref_squeeze %dma_wait3A_355 : memref<1x32x128xf32, #tpu.memory_space<vmem>> -> memref<32x128xf32, #tpu.memory_space<vmem>>
        %dma_wait3A_357 = arith.constant 0 : i32
        %dma_wait3A_358 = tpu.memref_slice %arg4[%dma_wait3A_351, %dma_wait3A_357, %mul3A_2] : memref<200x32x4096xf32, #tpu.memory_space<hbm>> -> memref<1x32x128xf32, #tpu.memory_space<hbm>>
        %dma_wait3A_359 = tpu.memref_squeeze %dma_wait3A_358 : memref<1x32x128xf32, #tpu.memory_space<hbm>> -> memref<32x128xf32, #tpu.memory_space<hbm>>
        %dma_wait3A_360 = tpu.memref_slice %arg9[%dma_wait3A_352] : memref<2x!tpu.dma_semaphore, #tpu.memory_space<semaphore_mem>> -> memref<1x!tpu.dma_semaphore, #tpu.memory_space<semaphore_mem>>
        %dma_wait3A_361 = tpu.memref_squeeze %dma_wait3A_360 : memref<1x!tpu.dma_semaphore, #tpu.memory_space<semaphore_mem>> -> memref<!tpu.dma_semaphore, #tpu.memory_space<semaphore_mem>>
        %dma_wait3A_362 = arith.constant 0 : i32
        %dma_wait3A_363 = tpu.memref_slice %arg4[%dma_wait3A_351, %dma_wait3A_362, %mul3A_2] : memref<200x32x4096xf32, #tpu.memory_space<hbm>> -> memref<1x32x128xf32, #tpu.memory_space<hbm>>
        %dma_wait3A_364 = tpu.memref_squeeze %dma_wait3A_363 : memref<1x32x128xf32, #tpu.memory_space<hbm>> -> memref<32x128xf32, #tpu.memory_space<hbm>>
        %dma_wait3A_365 = arith.constant 0 : i32
        %dma_wait3A_366 = arith.constant 0 : i32
        %dma_wait3A_367 = tpu.memref_slice %arg7[%dma_wait3A_350, %dma_wait3A_365, %dma_wait3A_366] : memref<2x32x137xf32, #tpu.memory_space<vmem>> -> memref<1x32x128xf32, #tpu.memory_space<vmem>>
        %dma_wait3A_368 = tpu.memref_squeeze %dma_wait3A_367 : memref<1x32x128xf32, #tpu.memory_space<vmem>> -> memref<32x128xf32, #tpu.memory_space<vmem>>
        tpu.wait_dma2 semaphore(%dma_wait3A_361 : memref<!tpu.dma_semaphore, #tpu.memory_space<semaphore_mem>>) src(%dma_wait3A_368 : memref<32x128xf32, #tpu.memory_space<vmem>>) dst(%dma_wait3A_364 : memref<32x128xf32, #tpu.memory_space<hbm>>)
      } else {
      }
      %scan3A_130 = arith.constant 0 : i32
      %scan3A_131 = arith.constant 0 : i32
      %scan3A_132 = arith.constant 128 : i32
      %scan3A_133 = arith.addi %scan3A_131, %scan3A_132 : i32
      %scan3A_134 = arith.constant 8 : i32
      scf.for %scan3A_350 = %scan3A_131 to %scan3A_133 step %scan3A_134  : i32 {
        %broadcast_in_dim3A = vector.broadcast %scan3A_350 : i32 to vector<16xi32>
        %get3A = arith.constant 0 : i32
        %get3A_351 = arith.index_cast %get3A : i32 to index
        %get3A_352 = arith.index_cast %scan3A_350 : i32 to index
        %get3A_353 = arith.constant 0 : index
        %get3A_354 = tpu.vector_load %arg6[%get3A_351, %get3A_352, %get3A_353] {strides = array<i32>} : memref<4x128x32xf32, #tpu.memory_space<vmem>>, vector<16xf32>,
        %get3A_355 = arith.constant 0 : i32
        %get3A_356 = arith.index_cast %get3A_355 : i32 to index
        %get3A_357 = arith.index_cast %scan3A_350 : i32 to index
        %get3A_358 = arith.constant 16 : index
        %get3A_359 = tpu.vector_load %arg6[%get3A_356, %get3A_357, %get3A_358] {strides = array<i32>} : memref<4x128x32xf32, #tpu.memory_space<vmem>>, vector<16xf32>,
        %scatter3A = arith.constant 0 : i32
        %scatter3A_360 = arith.constant 0 : i32
        %scatter3A_361 = arith.constant 0 : i32
        %scatter3A_362 = tpu.memref_slice %arg7[%scatter3A, %scatter3A_360, %scatter3A_361] : memref<2x32x137xf32, #tpu.memory_space<vmem>> -> memref<1x32x137xf32, #tpu.memory_space<vmem>>
        %scatter3A_363 = tpu.memref_squeeze %scatter3A_362 : memref<1x32x137xf32, #tpu.memory_space<vmem>> -> memref<32x137xf32, #tpu.memory_space<vmem>>
        tpu.vector_store_idx %scatter3A_363[%iota3A, %broadcast_in_dim3A], %get3A_354 : memref<32x137xf32, #tpu.memory_space<vmem>>[vector<16xi32>, vector<16xi32>], vector<16xf32>,
        %scatter3A_364 = arith.constant 0 : i32
        %scatter3A_365 = arith.constant 0 : i32
        %scatter3A_366 = arith.constant 0 : i32
        %scatter3A_367 = tpu.memref_slice %arg7[%scatter3A_364, %scatter3A_365, %scatter3A_366] : memref<2x32x137xf32, #tpu.memory_space<vmem>> -> memref<1x32x137xf32, #tpu.memory_space<vmem>>
        %scatter3A_368 = tpu.memref_squeeze %scatter3A_367 : memref<1x32x137xf32, #tpu.memory_space<vmem>> -> memref<32x137xf32, #tpu.memory_space<vmem>>
        tpu.vector_store_idx %scatter3A_368[%add3A_5, %broadcast_in_dim3A], %get3A_359 : memref<32x137xf32, #tpu.memory_space<vmem>>[vector<16xi32>, vector<16xi32>], vector<16xf32>,
        %scan3A_369 = arith.constant 1 : i32
        %scan3A_370 = arith.addi %scan3A_350, %scan3A_369 : i32
        %broadcast_in_dim3A_371 = vector.broadcast %scan3A_370 : i32 to vector<16xi32>
        %get3A_372 = arith.constant 0 : i32
        %get3A_373 = arith.index_cast %get3A_372 : i32 to index
        %get3A_374 = arith.index_cast %scan3A_370 : i32 to index
        %get3A_375 = arith.constant 0 : index
        %get3A_376 = tpu.vector_load %arg6[%get3A_373, %get3A_374, %get3A_375] {strides = array<i32>} : memref<4x128x32xf32, #tpu.memory_space<vmem>>, vector<16xf32>,
        %get3A_377 = arith.constant 0 : i32
        %get3A_378 = arith.index_cast %get3A_377 : i32 to index
        %get3A_379 = arith.index_cast %scan3A_370 : i32 to index
        %get3A_380 = arith.constant 16 : index
        %get3A_381 = tpu.vector_load %arg6[%get3A_378, %get3A_379, %get3A_380] {strides = array<i32>} : memref<4x128x32xf32, #tpu.memory_space<vmem>>, vector<16xf32>,
        %scatter3A_382 = arith.constant 0 : i32
        %scatter3A_383 = arith.constant 0 : i32
        %scatter3A_384 = arith.constant 0 : i32
        %scatter3A_385 = tpu.memref_slice %arg7[%scatter3A_382, %scatter3A_383, %scatter3A_384] : memref<2x32x137xf32, #tpu.memory_space<vmem>> -> memref<1x32x137xf32, #tpu.memory_space<vmem>>
        %scatter3A_386 = tpu.memref_squeeze %scatter3A_385 : memref<1x32x137xf32, #tpu.memory_space<vmem>> -> memref<32x137xf32, #tpu.memory_space<vmem>>
        tpu.vector_store_idx %scatter3A_386[%iota3A, %broadcast_in_dim3A_371], %get3A_376 : memref<32x137xf32, #tpu.memory_space<vmem>>[vector<16xi32>, vector<16xi32>], vector<16xf32>,
        %scatter3A_387 = arith.constant 0 : i32
        %scatter3A_388 = arith.constant 0 : i32
        %scatter3A_389 = arith.constant 0 : i32
        %scatter3A_390 = tpu.memref_slice %arg7[%scatter3A_387, %scatter3A_388, %scatter3A_389] : memref<2x32x137xf32, #tpu.memory_space<vmem>> -> memref<1x32x137xf32, #tpu.memory_space<vmem>>
        %scatter3A_391 = tpu.memref_squeeze %scatter3A_390 : memref<1x32x137xf32, #tpu.memory_space<vmem>> -> memref<32x137xf32, #tpu.memory_space<vmem>>
        tpu.vector_store_idx %scatter3A_391[%add3A_5, %broadcast_in_dim3A_371], %get3A_381 : memref<32x137xf32, #tpu.memory_space<vmem>>[vector<16xi32>, vector<16xi32>], vector<16xf32>,
        %scan3A_392 = arith.constant 2 : i32
        %scan3A_393 = arith.addi %scan3A_350, %scan3A_392 : i32
        %broadcast_in_dim3A_394 = vector.broadcast %scan3A_393 : i32 to vector<16xi32>
        %get3A_395 = arith.constant 0 : i32
        %get3A_396 = arith.index_cast %get3A_395 : i32 to index
        %get3A_397 = arith.index_cast %scan3A_393 : i32 to index
        %get3A_398 = arith.constant 0 : index
        %get3A_399 = tpu.vector_load %arg6[%get3A_396, %get3A_397, %get3A_398] {strides = array<i32>} : memref<4x128x32xf32, #tpu.memory_space<vmem>>, vector<16xf32>,
        %get3A_400 = arith.constant 0 : i32
        %get3A_401 = arith.index_cast %get3A_400 : i32 to index
        %get3A_402 = arith.index_cast %scan3A_393 : i32 to index
        %get3A_403 = arith.constant 16 : index
        %get3A_404 = tpu.vector_load %arg6[%get3A_401, %get3A_402, %get3A_403] {strides = array<i32>} : memref<4x128x32xf32, #tpu.memory_space<vmem>>, vector<16xf32>,
        %scatter3A_405 = arith.constant 0 : i32
        %scatter3A_406 = arith.constant 0 : i32
        %scatter3A_407 = arith.constant 0 : i32
        %scatter3A_408 = tpu.memref_slice %arg7[%scatter3A_405, %scatter3A_406, %scatter3A_407] : memref<2x32x137xf32, #tpu.memory_space<vmem>> -> memref<1x32x137xf32, #tpu.memory_space<vmem>>
        %scatter3A_409 = tpu.memref_squeeze %scatter3A_408 : memref<1x32x137xf32, #tpu.memory_space<vmem>> -> memref<32x137xf32, #tpu.memory_space<vmem>>
        tpu.vector_store_idx %scatter3A_409[%iota3A, %broadcast_in_dim3A_394], %get3A_399 : memref<32x137xf32, #tpu.memory_space<vmem>>[vector<16xi32>, vector<16xi32>], vector<16xf32>,
        %scatter3A_410 = arith.constant 0 : i32
        %scatter3A_411 = arith.constant 0 : i32
        %scatter3A_412 = arith.constant 0 : i32
        %scatter3A_413 = tpu.memref_slice %arg7[%scatter3A_410, %scatter3A_411, %scatter3A_412] : memref<2x32x137xf32, #tpu.memory_space<vmem>> -> memref<1x32x137xf32, #tpu.memory_space<vmem>>
        %scatter3A_414 = tpu.memref_squeeze %scatter3A_413 : memref<1x32x137xf32, #tpu.memory_space<vmem>> -> memref<32x137xf32, #tpu.memory_space<vmem>>
        tpu.vector_store_idx %scatter3A_414[%add3A_5, %broadcast_in_dim3A_394], %get3A_404 : memref<32x137xf32, #tpu.memory_space<vmem>>[vector<16xi32>, vector<16xi32>], vector<16xf32>,
        %scan3A_415 = arith.constant 3 : i32
        %scan3A_416 = arith.addi %scan3A_350, %scan3A_415 : i32
        %broadcast_in_dim3A_417 = vector.broadcast %scan3A_416 : i32 to vector<16xi32>
        %get3A_418 = arith.constant 0 : i32
        %get3A_419 = arith.index_cast %get3A_418 : i32 to index
        %get3A_420 = arith.index_cast %scan3A_416 : i32 to index
        %get3A_421 = arith.constant 0 : index
        %get3A_422 = tpu.vector_load %arg6[%get3A_419, %get3A_420, %get3A_421] {strides = array<i32>} : memref<4x128x32xf32, #tpu.memory_space<vmem>>, vector<16xf32>,
        %get3A_423 = arith.constant 0 : i32
        %get3A_424 = arith.index_cast %get3A_423 : i32 to index
        %get3A_425 = arith.index_cast %scan3A_416 : i32 to index
        %get3A_426 = arith.constant 16 : index
        %get3A_427 = tpu.vector_load %arg6[%get3A_424, %get3A_425, %get3A_426] {strides = array<i32>} : memref<4x128x32xf32, #tpu.memory_space<vmem>>, vector<16xf32>,
        %scatter3A_428 = arith.constant 0 : i32
        %scatter3A_429 = arith.constant 0 : i32
        %scatter3A_430 = arith.constant 0 : i32
        %scatter3A_431 = tpu.memref_slice %arg7[%scatter3A_428, %scatter3A_429, %scatter3A_430] : memref<2x32x137xf32, #tpu.memory_space<vmem>> -> memref<1x32x137xf32, #tpu.memory_space<vmem>>
        %scatter3A_432 = tpu.memref_squeeze %scatter3A_431 : memref<1x32x137xf32, #tpu.memory_space<vmem>> -> memref<32x137xf32, #tpu.memory_space<vmem>>
        tpu.vector_store_idx %scatter3A_432[%iota3A, %broadcast_in_dim3A_417], %get3A_422 : memref<32x137xf32, #tpu.memory_space<vmem>>[vector<16xi32>, vector<16xi32>], vector<16xf32>,
        %scatter3A_433 = arith.constant 0 : i32
        %scatter3A_434 = arith.constant 0 : i32
        %scatter3A_435 = arith.constant 0 : i32
        %scatter3A_436 = tpu.memref_slice %arg7[%scatter3A_433, %scatter3A_434, %scatter3A_435] : memref<2x32x137xf32, #tpu.memory_space<vmem>> -> memref<1x32x137xf32, #tpu.memory_space<vmem>>
        %scatter3A_437 = tpu.memref_squeeze %scatter3A_436 : memref<1x32x137xf32, #tpu.memory_space<vmem>> -> memref<32x137xf32, #tpu.memory_space<vmem>>
        tpu.vector_store_idx %scatter3A_437[%add3A_5, %broadcast_in_dim3A_417], %get3A_427 : memref<32x137xf32, #tpu.memory_space<vmem>>[vector<16xi32>, vector<16xi32>], vector<16xf32>,
        %scan3A_438 = arith.constant 4 : i32
        %scan3A_439 = arith.addi %scan3A_350, %scan3A_438 : i32
        %broadcast_in_dim3A_440 = vector.broadcast %scan3A_439 : i32 to vector<16xi32>
        %get3A_441 = arith.constant 0 : i32
        %get3A_442 = arith.index_cast %get3A_441 : i32 to index
        %get3A_443 = arith.index_cast %scan3A_439 : i32 to index
        %get3A_444 = arith.constant 0 : index
        %get3A_445 = tpu.vector_load %arg6[%get3A_442, %get3A_443, %get3A_444] {strides = array<i32>} : memref<4x128x32xf32, #tpu.memory_space<vmem>>, vector<16xf32>,
        %get3A_446 = arith.constant 0 : i32
        %get3A_447 = arith.index_cast %get3A_446 : i32 to index
        %get3A_448 = arith.index_cast %scan3A_439 : i32 to index
        %get3A_449 = arith.constant 16 : index
        %get3A_450 = tpu.vector_load %arg6[%get3A_447, %get3A_448, %get3A_449] {strides = array<i32>} : memref<4x128x32xf32, #tpu.memory_space<vmem>>, vector<16xf32>,
        %scatter3A_451 = arith.constant 0 : i32
        %scatter3A_452 = arith.constant 0 : i32
        %scatter3A_453 = arith.constant 0 : i32
        %scatter3A_454 = tpu.memref_slice %arg7[%scatter3A_451, %scatter3A_452, %scatter3A_453] : memref<2x32x137xf32, #tpu.memory_space<vmem>> -> memref<1x32x137xf32, #tpu.memory_space<vmem>>
        %scatter3A_455 = tpu.memref_squeeze %scatter3A_454 : memref<1x32x137xf32, #tpu.memory_space<vmem>> -> memref<32x137xf32, #tpu.memory_space<vmem>>
        tpu.vector_store_idx %scatter3A_455[%iota3A, %broadcast_in_dim3A_440], %get3A_445 : memref<32x137xf32, #tpu.memory_space<vmem>>[vector<16xi32>, vector<16xi32>], vector<16xf32>,
        %scatter3A_456 = arith.constant 0 : i32
        %scatter3A_457 = arith.constant 0 : i32
        %scatter3A_458 = arith.constant 0 : i32
        %scatter3A_459 = tpu.memref_slice %arg7[%scatter3A_456, %scatter3A_457, %scatter3A_458] : memref<2x32x137xf32, #tpu.memory_space<vmem>> -> memref<1x32x137xf32, #tpu.memory_space<vmem>>
        %scatter3A_460 = tpu.memref_squeeze %scatter3A_459 : memref<1x32x137xf32, #tpu.memory_space<vmem>> -> memref<32x137xf32, #tpu.memory_space<vmem>>
        tpu.vector_store_idx %scatter3A_460[%add3A_5, %broadcast_in_dim3A_440], %get3A_450 : memref<32x137xf32, #tpu.memory_space<vmem>>[vector<16xi32>, vector<16xi32>], vector<16xf32>,
        %scan3A_461 = arith.constant 5 : i32
        %scan3A_462 = arith.addi %scan3A_350, %scan3A_461 : i32
        %broadcast_in_dim3A_463 = vector.broadcast %scan3A_462 : i32 to vector<16xi32>
        %get3A_464 = arith.constant 0 : i32
        %get3A_465 = arith.index_cast %get3A_464 : i32 to index
        %get3A_466 = arith.index_cast %scan3A_462 : i32 to index
        %get3A_467 = arith.constant 0 : index
        %get3A_468 = tpu.vector_load %arg6[%get3A_465, %get3A_466, %get3A_467] {strides = array<i32>} : memref<4x128x32xf32, #tpu.memory_space<vmem>>, vector<16xf32>,
        %get3A_469 = arith.constant 0 : i32
        %get3A_470 = arith.index_cast %get3A_469 : i32 to index
        %get3A_471 = arith.index_cast %scan3A_462 : i32 to index
        %get3A_472 = arith.constant 16 : index
        %get3A_473 = tpu.vector_load %arg6[%get3A_470, %get3A_471, %get3A_472] {strides = array<i32>} : memref<4x128x32xf32, #tpu.memory_space<vmem>>, vector<16xf32>,
        %scatter3A_474 = arith.constant 0 : i32
        %scatter3A_475 = arith.constant 0 : i32
        %scatter3A_476 = arith.constant 0 : i32
        %scatter3A_477 = tpu.memref_slice %arg7[%scatter3A_474, %scatter3A_475, %scatter3A_476] : memref<2x32x137xf32, #tpu.memory_space<vmem>> -> memref<1x32x137xf32, #tpu.memory_space<vmem>>
        %scatter3A_478 = tpu.memref_squeeze %scatter3A_477 : memref<1x32x137xf32, #tpu.memory_space<vmem>> -> memref<32x137xf32, #tpu.memory_space<vmem>>
        tpu.vector_store_idx %scatter3A_478[%iota3A, %broadcast_in_dim3A_463], %get3A_468 : memref<32x137xf32, #tpu.memory_space<vmem>>[vector<16xi32>, vector<16xi32>], vector<16xf32>,
        %scatter3A_479 = arith.constant 0 : i32
        %scatter3A_480 = arith.constant 0 : i32
        %scatter3A_481 = arith.constant 0 : i32
        %scatter3A_482 = tpu.memref_slice %arg7[%scatter3A_479, %scatter3A_480, %scatter3A_481] : memref<2x32x137xf32, #tpu.memory_space<vmem>> -> memref<1x32x137xf32, #tpu.memory_space<vmem>>
        %scatter3A_483 = tpu.memref_squeeze %scatter3A_482 : memref<1x32x137xf32, #tpu.memory_space<vmem>> -> memref<32x137xf32, #tpu.memory_space<vmem>>
        tpu.vector_store_idx %scatter3A_483[%add3A_5, %broadcast_in_dim3A_463], %get3A_473 : memref<32x137xf32, #tpu.memory_space<vmem>>[vector<16xi32>, vector<16xi32>], vector<16xf32>,
        %scan3A_484 = arith.constant 6 : i32
        %scan3A_485 = arith.addi %scan3A_350, %scan3A_484 : i32
        %broadcast_in_dim3A_486 = vector.broadcast %scan3A_485 : i32 to vector<16xi32>
        %get3A_487 = arith.constant 0 : i32
        %get3A_488 = arith.index_cast %get3A_487 : i32 to index
        %get3A_489 = arith.index_cast %scan3A_485 : i32 to index
        %get3A_490 = arith.constant 0 : index
        %get3A_491 = tpu.vector_load %arg6[%get3A_488, %get3A_489, %get3A_490] {strides = array<i32>} : memref<4x128x32xf32, #tpu.memory_space<vmem>>, vector<16xf32>,
        %get3A_492 = arith.constant 0 : i32
        %get3A_493 = arith.index_cast %get3A_492 : i32 to index
        %get3A_494 = arith.index_cast %scan3A_485 : i32 to index
        %get3A_495 = arith.constant 16 : index
        %get3A_496 = tpu.vector_load %arg6[%get3A_493, %get3A_494, %get3A_495] {strides = array<i32>} : memref<4x128x32xf32, #tpu.memory_space<vmem>>, vector<16xf32>,
        %scatter3A_497 = arith.constant 0 : i32
        %scatter3A_498 = arith.constant 0 : i32
        %scatter3A_499 = arith.constant 0 : i32
        %scatter3A_500 = tpu.memref_slice %arg7[%scatter3A_497, %scatter3A_498, %scatter3A_499] : memref<2x32x137xf32, #tpu.memory_space<vmem>> -> memref<1x32x137xf32, #tpu.memory_space<vmem>>
        %scatter3A_501 = tpu.memref_squeeze %scatter3A_500 : memref<1x32x137xf32, #tpu.memory_space<vmem>> -> memref<32x137xf32, #tpu.memory_space<vmem>>
        tpu.vector_store_idx %scatter3A_501[%iota3A, %broadcast_in_dim3A_486], %get3A_491 : memref<32x137xf32, #tpu.memory_space<vmem>>[vector<16xi32>, vector<16xi32>], vector<16xf32>,
        %scatter3A_502 = arith.constant 0 : i32
        %scatter3A_503 = arith.constant 0 : i32
        %scatter3A_504 = arith.constant 0 : i32
        %scatter3A_505 = tpu.memref_slice %arg7[%scatter3A_502, %scatter3A_503, %scatter3A_504] : memref<2x32x137xf32, #tpu.memory_space<vmem>> -> memref<1x32x137xf32, #tpu.memory_space<vmem>>
        %scatter3A_506 = tpu.memref_squeeze %scatter3A_505 : memref<1x32x137xf32, #tpu.memory_space<vmem>> -> memref<32x137xf32, #tpu.memory_space<vmem>>
        tpu.vector_store_idx %scatter3A_506[%add3A_5, %broadcast_in_dim3A_486], %get3A_496 : memref<32x137xf32, #tpu.memory_space<vmem>>[vector<16xi32>, vector<16xi32>], vector<16xf32>,
        %scan3A_507 = arith.constant 7 : i32
        %scan3A_508 = arith.addi %scan3A_350, %scan3A_507 : i32
        %broadcast_in_dim3A_509 = vector.broadcast %scan3A_508 : i32 to vector<16xi32>
        %get3A_510 = arith.constant 0 : i32
        %get3A_511 = arith.index_cast %get3A_510 : i32 to index
        %get3A_512 = arith.index_cast %scan3A_508 : i32 to index
        %get3A_513 = arith.constant 0 : index
        %get3A_514 = tpu.vector_load %arg6[%get3A_511, %get3A_512, %get3A_513] {strides = array<i32>} : memref<4x128x32xf32, #tpu.memory_space<vmem>>, vector<16xf32>,
        %get3A_515 = arith.constant 0 : i32
        %get3A_516 = arith.index_cast %get3A_515 : i32 to index
        %get3A_517 = arith.index_cast %scan3A_508 : i32 to index
        %get3A_518 = arith.constant 16 : index
        %get3A_519 = tpu.vector_load %arg6[%get3A_516, %get3A_517, %get3A_518] {strides = array<i32>} : memref<4x128x32xf32, #tpu.memory_space<vmem>>, vector<16xf32>,
        %scatter3A_520 = arith.constant 0 : i32
        %scatter3A_521 = arith.constant 0 : i32
        %scatter3A_522 = arith.constant 0 : i32
        %scatter3A_523 = tpu.memref_slice %arg7[%scatter3A_520, %scatter3A_521, %scatter3A_522] : memref<2x32x137xf32, #tpu.memory_space<vmem>> -> memref<1x32x137xf32, #tpu.memory_space<vmem>>
        %scatter3A_524 = tpu.memref_squeeze %scatter3A_523 : memref<1x32x137xf32, #tpu.memory_space<vmem>> -> memref<32x137xf32, #tpu.memory_space<vmem>>
        tpu.vector_store_idx %scatter3A_524[%iota3A, %broadcast_in_dim3A_509], %get3A_514 : memref<32x137xf32, #tpu.memory_space<vmem>>[vector<16xi32>, vector<16xi32>], vector<16xf32>,
        %scatter3A_525 = arith.constant 0 : i32
        %scatter3A_526 = arith.constant 0 : i32
        %scatter3A_527 = arith.constant 0 : i32
        %scatter3A_528 = tpu.memref_slice %arg7[%scatter3A_525, %scatter3A_526, %scatter3A_527] : memref<2x32x137xf32, #tpu.memory_space<vmem>> -> memref<1x32x137xf32, #tpu.memory_space<vmem>>
        %scatter3A_529 = tpu.memref_squeeze %scatter3A_528 : memref<1x32x137xf32, #tpu.memory_space<vmem>> -> memref<32x137xf32, #tpu.memory_space<vmem>>
        tpu.vector_store_idx %scatter3A_529[%add3A_5, %broadcast_in_dim3A_509], %get3A_519 : memref<32x137xf32, #tpu.memory_space<vmem>>[vector<16xi32>, vector<16xi32>], vector<16xf32>,
      }
      %scan3A_135 = arith.constant 128 : i32
      %lt3A = arith.constant 49 : i32
      %lt3A_136 = arith.cmpi slt, %scan3A_107, %lt3A : i32
      %convert_element_type3A_137 = arith.extui %lt3A_136 : i1 to i32
      %cond3A_138 = arith.constant 0 : i32
      %cond3A_139 = arith.cmpi ne, %convert_element_type3A_137, %cond3A_138 : i32
      scf.if %cond3A_139 {
        %add3A_350 = arith.constant 4 : i32
        %add3A_351 = arith.addi %mul3A_109, %add3A_350 : i32
        %add3A_352 = arith.constant 0 : i32
        %add3A_353 = arith.addi %add3A_351, %add3A_352 : i32
        %dma_start3A_354 = arith.constant 0 : i32
        %dma_start3A_355 = arith.constant 0 : i32
        %dma_start3A_356 = arith.constant 0 : i32
        %dma_start3A_357 = arith.constant 0 : i32
        %dma_start3A_358 = tpu.memref_slice %arg6[%dma_start3A_354, %dma_start3A_356, %dma_start3A_357] : memref<4x128x32xf32, #tpu.memory_space<vmem>> -> memref<1x128x32xf32, #tpu.memory_space<vmem>>
        %dma_start3A_359 = tpu.memref_squeeze %dma_start3A_358 : memref<1x128x32xf32, #tpu.memory_space<vmem>> -> memref<128x32xf32, #tpu.memory_space<vmem>>
        %dma_start3A_360 = arith.constant 0 : i32
        %dma_start3A_361 = tpu.memref_slice %arg5[%add3A_353, %dma_start3A_360] : memref<200x128xi32, #tpu.memory_space<vmem>> -> memref<1x128xi32, #tpu.memory_space<vmem>>
        %dma_start3A_362 = tpu.memref_squeeze %dma_start3A_361 : memref<1x128xi32, #tpu.memory_space<vmem>> -> memref<128xi32, #tpu.memory_space<vmem>>
        %dma_start3A_363 = arith.constant 0 : i32
        %dma_start3A_364 = arith.constant 0 : i32
        %dma_start3A_365 = tpu.memref_slice %arg3[%dma_start3A_363, %dma_start3A_364] : memref<1000000x32xf32, #tpu.memory_space<hbm>> -> memref<1000000x32xf32, #tpu.memory_space<hbm>>
        %dma_start3A_366 = tpu.memref_slice %arg8[%dma_start3A_355] : memref<4x!tpu.dma_semaphore, #tpu.memory_space<semaphore_mem>> -> memref<1x!tpu.dma_semaphore, #tpu.memory_space<semaphore_mem>>
        %dma_start3A_367 = tpu.memref_squeeze %dma_start3A_366 : memref<1x!tpu.dma_semaphore, #tpu.memory_space<semaphore_mem>> -> memref<!tpu.dma_semaphore, #tpu.memory_space<semaphore_mem>>
        tpu.enqueue_indirect_dma source(%dma_start3A_365 : memref<1000000x32xf32, #tpu.memory_space<hbm>>) target(%dma_start3A_359 : memref<128x32xf32, #tpu.memory_space<vmem>>) offsets(%dma_start3A_362 : memref<128xi32, #tpu.memory_space<vmem>>) semaphore(%dma_start3A_367 : memref<!tpu.dma_semaphore, #tpu.memory_space<semaphore_mem>>)
      } else {
      }
      %add3A_140 = arith.constant 0 : i32
      %add3A_141 = arith.addi %mul3A_109, %add3A_140 : i32
      %dma_start3A_142 = arith.constant 0 : i32
      %dma_start3A_143 = arith.constant 0 : i32
      %dma_start3A_144 = arith.constant 0 : i32
      %dma_start3A_145 = arith.constant 0 : i32
      %dma_start3A_146 = tpu.memref_slice %arg7[%dma_start3A_142, %dma_start3A_144, %dma_start3A_145] : memref<2x32x137xf32, #tpu.memory_space<vmem>> -> memref<1x32x128xf32, #tpu.memory_space<vmem>>
      %dma_start3A_147 = tpu.memref_squeeze %dma_start3A_146 : memref<1x32x128xf32, #tpu.memory_space<vmem>> -> memref<32x128xf32, #tpu.memory_space<vmem>>
      %dma_start3A_148 = arith.constant 0 : i32
      %dma_start3A_149 = tpu.memref_slice %arg4[%add3A_141, %dma_start3A_148, %mul3A_2] : memref<200x32x4096xf32, #tpu.memory_space<hbm>> -> memref<1x32x128xf32, #tpu.memory_space<hbm>>
      %dma_start3A_150 = tpu.memref_squeeze %dma_start3A_149 : memref<1x32x128xf32, #tpu.memory_space<hbm>> -> memref<32x128xf32, #tpu.memory_space<hbm>>
      %dma_start3A_151 = tpu.memref_slice %arg9[%dma_start3A_143] : memref<2x!tpu.dma_semaphore, #tpu.memory_space<semaphore_mem>> -> memref<1x!tpu.dma_semaphore, #tpu.memory_space<semaphore_mem>>
      %dma_start3A_152 = tpu.memref_squeeze %dma_start3A_151 : memref<1x!tpu.dma_semaphore, #tpu.memory_space<semaphore_mem>> -> memref<!tpu.dma_semaphore, #tpu.memory_space<semaphore_mem>>
      %dma_start3A_153 = arith.constant 0 : i32
      %dma_start3A_154 = tpu.memref_slice %arg4[%add3A_141, %dma_start3A_153, %mul3A_2] : memref<200x32x4096xf32, #tpu.memory_space<hbm>> -> memref<1x32x128xf32, #tpu.memory_space<hbm>>
      %dma_start3A_155 = tpu.memref_squeeze %dma_start3A_154 : memref<1x32x128xf32, #tpu.memory_space<hbm>> -> memref<32x128xf32, #tpu.memory_space<hbm>>
      %dma_start3A_156 = arith.constant 0 : i32
      %dma_start3A_157 = arith.constant 0 : i32
      %dma_start3A_158 = tpu.memref_slice %arg7[%dma_start3A_142, %dma_start3A_156, %dma_start3A_157] : memref<2x32x137xf32, #tpu.memory_space<vmem>> -> memref<1x32x128xf32, #tpu.memory_space<vmem>>
      %dma_start3A_159 = tpu.memref_squeeze %dma_start3A_158 : memref<1x32x128xf32, #tpu.memory_space<vmem>> -> memref<32x128xf32, #tpu.memory_space<vmem>>
      tpu.enqueue_dma source(%dma_start3A_159 : memref<32x128xf32, #tpu.memory_space<vmem>>) target(%dma_start3A_155 : memref<32x128xf32, #tpu.memory_space<hbm>>) target_semaphore(%dma_start3A_152 : memref<!tpu.dma_semaphore, #tpu.memory_space<semaphore_mem>>)
      %dma_wait3A_160 = arith.constant 1 : i32
      %dma_wait3A_161 = arith.constant 1 : i32
      %dma_wait3A_162 = arith.constant 0 : i32
      %dma_wait3A_163 = arith.constant 0 : i32
      %dma_wait3A_164 = tpu.memref_slice %arg6[%dma_wait3A_160, %dma_wait3A_162, %dma_wait3A_163] : memref<4x128x32xf32, #tpu.memory_space<vmem>> -> memref<1x128x32xf32, #tpu.memory_space<vmem>>
      %dma_wait3A_165 = tpu.memref_squeeze %dma_wait3A_164 : memref<1x128x32xf32, #tpu.memory_space<vmem>> -> memref<128x32xf32, #tpu.memory_space<vmem>>
      %dma_wait3A_166 = arith.constant 0 : i32
      %dma_wait3A_167 = arith.constant 0 : i32
      %dma_wait3A_168 = tpu.memref_slice %arg3[%dma_wait3A_166, %dma_wait3A_167] : memref<1000000x32xf32, #tpu.memory_space<hbm>> -> memref<128x32xf32, #tpu.memory_space<hbm>>
      %dma_wait3A_169 = tpu.memref_slice %arg8[%dma_wait3A_161] : memref<4x!tpu.dma_semaphore, #tpu.memory_space<semaphore_mem>> -> memref<1x!tpu.dma_semaphore, #tpu.memory_space<semaphore_mem>>
      %dma_wait3A_170 = tpu.memref_squeeze %dma_wait3A_169 : memref<1x!tpu.dma_semaphore, #tpu.memory_space<semaphore_mem>> -> memref<!tpu.dma_semaphore, #tpu.memory_space<semaphore_mem>>
      %dma_wait3A_171 = arith.constant 0 : i32
      %dma_wait3A_172 = arith.constant 0 : i32
      %dma_wait3A_173 = tpu.memref_slice %arg6[%dma_wait3A_160, %dma_wait3A_171, %dma_wait3A_172] : memref<4x128x32xf32, #tpu.memory_space<vmem>> -> memref<1x128x32xf32, #tpu.memory_space<vmem>>
      %dma_wait3A_174 = tpu.memref_squeeze %dma_wait3A_173 : memref<1x128x32xf32, #tpu.memory_space<vmem>> -> memref<128x32xf32, #tpu.memory_space<vmem>>
      %dma_wait3A_175 = arith.constant 0 : i32
      %dma_wait3A_176 = arith.constant 0 : i32
      %dma_wait3A_177 = tpu.memref_slice %arg3[%dma_wait3A_175, %dma_wait3A_176] : memref<1000000x32xf32, #tpu.memory_space<hbm>> -> memref<128x32xf32, #tpu.memory_space<hbm>>
      tpu.wait_dma2 semaphore(%dma_wait3A_170 : memref<!tpu.dma_semaphore, #tpu.memory_space<semaphore_mem>>) src(%dma_wait3A_177 : memref<128x32xf32, #tpu.memory_space<hbm>>) dst(%dma_wait3A_174 : memref<128x32xf32, #tpu.memory_space<vmem>>)
      %gt3A_178 = arith.constant 0 : i32
      %gt3A_179 = arith.cmpi sgt, %scan3A_107, %gt3A_178 : i32
      %convert_element_type3A_180 = arith.extui %gt3A_179 : i1 to i32
      %cond3A_181 = arith.constant 0 : i32
      %cond3A_182 = arith.cmpi ne, %convert_element_type3A_180, %cond3A_181 : i32
      scf.if %cond3A_182 {
        %dma_wait3A_350 = arith.constant 1 : i32
        %dma_wait3A_351 = arith.constant 0 : i32
        %dma_wait3A_352 = arith.constant 1 : i32
        %dma_wait3A_353 = arith.constant 0 : i32
        %dma_wait3A_354 = arith.constant 0 : i32
        %dma_wait3A_355 = tpu.memref_slice %arg7[%dma_wait3A_350, %dma_wait3A_353, %dma_wait3A_354] : memref<2x32x137xf32, #tpu.memory_space<vmem>> -> memref<1x32x128xf32, #tpu.memory_space<vmem>>
        %dma_wait3A_356 = tpu.memref_squeeze %dma_wait3A_355 : memref<1x32x128xf32, #tpu.memory_space<vmem>> -> memref<32x128xf32, #tpu.memory_space<vmem>>
        %dma_wait3A_357 = arith.constant 0 : i32
        %dma_wait3A_358 = tpu.memref_slice %arg4[%dma_wait3A_351, %dma_wait3A_357, %mul3A_2] : memref<200x32x4096xf32, #tpu.memory_space<hbm>> -> memref<1x32x128xf32, #tpu.memory_space<hbm>>
        %dma_wait3A_359 = tpu.memref_squeeze %dma_wait3A_358 : memref<1x32x128xf32, #tpu.memory_space<hbm>> -> memref<32x128xf32, #tpu.memory_space<hbm>>
        %dma_wait3A_360 = tpu.memref_slice %arg9[%dma_wait3A_352] : memref<2x!tpu.dma_semaphore, #tpu.memory_space<semaphore_mem>> -> memref<1x!tpu.dma_semaphore, #tpu.memory_space<semaphore_mem>>
        %dma_wait3A_361 = tpu.memref_squeeze %dma_wait3A_360 : memref<1x!tpu.dma_semaphore, #tpu.memory_space<semaphore_mem>> -> memref<!tpu.dma_semaphore, #tpu.memory_space<semaphore_mem>>
        %dma_wait3A_362 = arith.constant 0 : i32
        %dma_wait3A_363 = tpu.memref_slice %arg4[%dma_wait3A_351, %dma_wait3A_362, %mul3A_2] : memref<200x32x4096xf32, #tpu.memory_space<hbm>> -> memref<1x32x128xf32, #tpu.memory_space<hbm>>
        %dma_wait3A_364 = tpu.memref_squeeze %dma_wait3A_363 : memref<1x32x128xf32, #tpu.memory_space<hbm>> -> memref<32x128xf32, #tpu.memory_space<hbm>>
        %dma_wait3A_365 = arith.constant 0 : i32
        %dma_wait3A_366 = arith.constant 0 : i32
        %dma_wait3A_367 = tpu.memref_slice %arg7[%dma_wait3A_350, %dma_wait3A_365, %dma_wait3A_366] : memref<2x32x137xf32, #tpu.memory_space<vmem>> -> memref<1x32x128xf32, #tpu.memory_space<vmem>>
        %dma_wait3A_368 = tpu.memref_squeeze %dma_wait3A_367 : memref<1x32x128xf32, #tpu.memory_space<vmem>> -> memref<32x128xf32, #tpu.memory_space<vmem>>
        tpu.wait_dma2 semaphore(%dma_wait3A_361 : memref<!tpu.dma_semaphore, #tpu.memory_space<semaphore_mem>>) src(%dma_wait3A_368 : memref<32x128xf32, #tpu.memory_space<vmem>>) dst(%dma_wait3A_364 : memref<32x128xf32, #tpu.memory_space<hbm>>)
      } else {
      }
      %scan3A_183 = arith.constant 0 : i32
      %scan3A_184 = arith.constant 0 : i32
      %scan3A_185 = arith.constant 128 : i32
      %scan3A_186 = arith.addi %scan3A_184, %scan3A_185 : i32
      %scan3A_187 = arith.constant 8 : i32
      scf.for %scan3A_350 = %scan3A_184 to %scan3A_186 step %scan3A_187  : i32 {
        %broadcast_in_dim3A = vector.broadcast %scan3A_350 : i32 to vector<16xi32>
        %get3A = arith.constant 1 : i32
        %get3A_351 = arith.index_cast %get3A : i32 to index
        %get3A_352 = arith.index_cast %scan3A_350 : i32 to index
        %get3A_353 = arith.constant 0 : index
        %get3A_354 = tpu.vector_load %arg6[%get3A_351, %get3A_352, %get3A_353] {strides = array<i32>} : memref<4x128x32xf32, #tpu.memory_space<vmem>>, vector<16xf32>,
        %get3A_355 = arith.constant 1 : i32
        %get3A_356 = arith.index_cast %get3A_355 : i32 to index
        %get3A_357 = arith.index_cast %scan3A_350 : i32 to index
        %get3A_358 = arith.constant 16 : index
        %get3A_359 = tpu.vector_load %arg6[%get3A_356, %get3A_357, %get3A_358] {strides = array<i32>} : memref<4x128x32xf32, #tpu.memory_space<vmem>>, vector<16xf32>,
        %scatter3A = arith.constant 1 : i32
        %scatter3A_360 = arith.constant 0 : i32
        %scatter3A_361 = arith.constant 0 : i32
        %scatter3A_362 = tpu.memref_slice %arg7[%scatter3A, %scatter3A_360, %scatter3A_361] : memref<2x32x137xf32, #tpu.memory_space<vmem>> -> memref<1x32x137xf32, #tpu.memory_space<vmem>>
        %scatter3A_363 = tpu.memref_squeeze %scatter3A_362 : memref<1x32x137xf32, #tpu.memory_space<vmem>> -> memref<32x137xf32, #tpu.memory_space<vmem>>
        tpu.vector_store_idx %scatter3A_363[%iota3A, %broadcast_in_dim3A], %get3A_354 : memref<32x137xf32, #tpu.memory_space<vmem>>[vector<16xi32>, vector<16xi32>], vector<16xf32>,
        %scatter3A_364 = arith.constant 1 : i32
        %scatter3A_365 = arith.constant 0 : i32
        %scatter3A_366 = arith.constant 0 : i32
        %scatter3A_367 = tpu.memref_slice %arg7[%scatter3A_364, %scatter3A_365, %scatter3A_366] : memref<2x32x137xf32, #tpu.memory_space<vmem>> -> memref<1x32x137xf32, #tpu.memory_space<vmem>>
        %scatter3A_368 = tpu.memref_squeeze %scatter3A_367 : memref<1x32x137xf32, #tpu.memory_space<vmem>> -> memref<32x137xf32, #tpu.memory_space<vmem>>
        tpu.vector_store_idx %scatter3A_368[%add3A_5, %broadcast_in_dim3A], %get3A_359 : memref<32x137xf32, #tpu.memory_space<vmem>>[vector<16xi32>, vector<16xi32>], vector<16xf32>,
        %scan3A_369 = arith.constant 1 : i32
        %scan3A_370 = arith.addi %scan3A_350, %scan3A_369 : i32
        %broadcast_in_dim3A_371 = vector.broadcast %scan3A_370 : i32 to vector<16xi32>
        %get3A_372 = arith.constant 1 : i32
        %get3A_373 = arith.index_cast %get3A_372 : i32 to index
        %get3A_374 = arith.index_cast %scan3A_370 : i32 to index
        %get3A_375 = arith.constant 0 : index
        %get3A_376 = tpu.vector_load %arg6[%get3A_373, %get3A_374, %get3A_375] {strides = array<i32>} : memref<4x128x32xf32, #tpu.memory_space<vmem>>, vector<16xf32>,
        %get3A_377 = arith.constant 1 : i32
        %get3A_378 = arith.index_cast %get3A_377 : i32 to index
        %get3A_379 = arith.index_cast %scan3A_370 : i32 to index
        %get3A_380 = arith.constant 16 : index
        %get3A_381 = tpu.vector_load %arg6[%get3A_378, %get3A_379, %get3A_380] {strides = array<i32>} : memref<4x128x32xf32, #tpu.memory_space<vmem>>, vector<16xf32>,
        %scatter3A_382 = arith.constant 1 : i32
        %scatter3A_383 = arith.constant 0 : i32
        %scatter3A_384 = arith.constant 0 : i32
        %scatter3A_385 = tpu.memref_slice %arg7[%scatter3A_382, %scatter3A_383, %scatter3A_384] : memref<2x32x137xf32, #tpu.memory_space<vmem>> -> memref<1x32x137xf32, #tpu.memory_space<vmem>>
        %scatter3A_386 = tpu.memref_squeeze %scatter3A_385 : memref<1x32x137xf32, #tpu.memory_space<vmem>> -> memref<32x137xf32, #tpu.memory_space<vmem>>
        tpu.vector_store_idx %scatter3A_386[%iota3A, %broadcast_in_dim3A_371], %get3A_376 : memref<32x137xf32, #tpu.memory_space<vmem>>[vector<16xi32>, vector<16xi32>], vector<16xf32>,
        %scatter3A_387 = arith.constant 1 : i32
        %scatter3A_388 = arith.constant 0 : i32
        %scatter3A_389 = arith.constant 0 : i32
        %scatter3A_390 = tpu.memref_slice %arg7[%scatter3A_387, %scatter3A_388, %scatter3A_389] : memref<2x32x137xf32, #tpu.memory_space<vmem>> -> memref<1x32x137xf32, #tpu.memory_space<vmem>>
        %scatter3A_391 = tpu.memref_squeeze %scatter3A_390 : memref<1x32x137xf32, #tpu.memory_space<vmem>> -> memref<32x137xf32, #tpu.memory_space<vmem>>
        tpu.vector_store_idx %scatter3A_391[%add3A_5, %broadcast_in_dim3A_371], %get3A_381 : memref<32x137xf32, #tpu.memory_space<vmem>>[vector<16xi32>, vector<16xi32>], vector<16xf32>,
        %scan3A_392 = arith.constant 2 : i32
        %scan3A_393 = arith.addi %scan3A_350, %scan3A_392 : i32
        %broadcast_in_dim3A_394 = vector.broadcast %scan3A_393 : i32 to vector<16xi32>
        %get3A_395 = arith.constant 1 : i32
        %get3A_396 = arith.index_cast %get3A_395 : i32 to index
        %get3A_397 = arith.index_cast %scan3A_393 : i32 to index
        %get3A_398 = arith.constant 0 : index
        %get3A_399 = tpu.vector_load %arg6[%get3A_396, %get3A_397, %get3A_398] {strides = array<i32>} : memref<4x128x32xf32, #tpu.memory_space<vmem>>, vector<16xf32>,
        %get3A_400 = arith.constant 1 : i32
        %get3A_401 = arith.index_cast %get3A_400 : i32 to index
        %get3A_402 = arith.index_cast %scan3A_393 : i32 to index
        %get3A_403 = arith.constant 16 : index
        %get3A_404 = tpu.vector_load %arg6[%get3A_401, %get3A_402, %get3A_403] {strides = array<i32>} : memref<4x128x32xf32, #tpu.memory_space<vmem>>, vector<16xf32>,
        %scatter3A_405 = arith.constant 1 : i32
        %scatter3A_406 = arith.constant 0 : i32
        %scatter3A_407 = arith.constant 0 : i32
        %scatter3A_408 = tpu.memref_slice %arg7[%scatter3A_405, %scatter3A_406, %scatter3A_407] : memref<2x32x137xf32, #tpu.memory_space<vmem>> -> memref<1x32x137xf32, #tpu.memory_space<vmem>>
        %scatter3A_409 = tpu.memref_squeeze %scatter3A_408 : memref<1x32x137xf32, #tpu.memory_space<vmem>> -> memref<32x137xf32, #tpu.memory_space<vmem>>
        tpu.vector_store_idx %scatter3A_409[%iota3A, %broadcast_in_dim3A_394], %get3A_399 : memref<32x137xf32, #tpu.memory_space<vmem>>[vector<16xi32>, vector<16xi32>], vector<16xf32>,
        %scatter3A_410 = arith.constant 1 : i32
        %scatter3A_411 = arith.constant 0 : i32
        %scatter3A_412 = arith.constant 0 : i32
        %scatter3A_413 = tpu.memref_slice %arg7[%scatter3A_410, %scatter3A_411, %scatter3A_412] : memref<2x32x137xf32, #tpu.memory_space<vmem>> -> memref<1x32x137xf32, #tpu.memory_space<vmem>>
        %scatter3A_414 = tpu.memref_squeeze %scatter3A_413 : memref<1x32x137xf32, #tpu.memory_space<vmem>> -> memref<32x137xf32, #tpu.memory_space<vmem>>
        tpu.vector_store_idx %scatter3A_414[%add3A_5, %broadcast_in_dim3A_394], %get3A_404 : memref<32x137xf32, #tpu.memory_space<vmem>>[vector<16xi32>, vector<16xi32>], vector<16xf32>,
        %scan3A_415 = arith.constant 3 : i32
        %scan3A_416 = arith.addi %scan3A_350, %scan3A_415 : i32
        %broadcast_in_dim3A_417 = vector.broadcast %scan3A_416 : i32 to vector<16xi32>
        %get3A_418 = arith.constant 1 : i32
        %get3A_419 = arith.index_cast %get3A_418 : i32 to index
        %get3A_420 = arith.index_cast %scan3A_416 : i32 to index
        %get3A_421 = arith.constant 0 : index
        %get3A_422 = tpu.vector_load %arg6[%get3A_419, %get3A_420, %get3A_421] {strides = array<i32>} : memref<4x128x32xf32, #tpu.memory_space<vmem>>, vector<16xf32>,
        %get3A_423 = arith.constant 1 : i32
        %get3A_424 = arith.index_cast %get3A_423 : i32 to index
        %get3A_425 = arith.index_cast %scan3A_416 : i32 to index
        %get3A_426 = arith.constant 16 : index
        %get3A_427 = tpu.vector_load %arg6[%get3A_424, %get3A_425, %get3A_426] {strides = array<i32>} : memref<4x128x32xf32, #tpu.memory_space<vmem>>, vector<16xf32>,
        %scatter3A_428 = arith.constant 1 : i32
        %scatter3A_429 = arith.constant 0 : i32
        %scatter3A_430 = arith.constant 0 : i32
        %scatter3A_431 = tpu.memref_slice %arg7[%scatter3A_428, %scatter3A_429, %scatter3A_430] : memref<2x32x137xf32, #tpu.memory_space<vmem>> -> memref<1x32x137xf32, #tpu.memory_space<vmem>>
        %scatter3A_432 = tpu.memref_squeeze %scatter3A_431 : memref<1x32x137xf32, #tpu.memory_space<vmem>> -> memref<32x137xf32, #tpu.memory_space<vmem>>
        tpu.vector_store_idx %scatter3A_432[%iota3A, %broadcast_in_dim3A_417], %get3A_422 : memref<32x137xf32, #tpu.memory_space<vmem>>[vector<16xi32>, vector<16xi32>], vector<16xf32>,
        %scatter3A_433 = arith.constant 1 : i32
        %scatter3A_434 = arith.constant 0 : i32
        %scatter3A_435 = arith.constant 0 : i32
        %scatter3A_436 = tpu.memref_slice %arg7[%scatter3A_433, %scatter3A_434, %scatter3A_435] : memref<2x32x137xf32, #tpu.memory_space<vmem>> -> memref<1x32x137xf32, #tpu.memory_space<vmem>>
        %scatter3A_437 = tpu.memref_squeeze %scatter3A_436 : memref<1x32x137xf32, #tpu.memory_space<vmem>> -> memref<32x137xf32, #tpu.memory_space<vmem>>
        tpu.vector_store_idx %scatter3A_437[%add3A_5, %broadcast_in_dim3A_417], %get3A_427 : memref<32x137xf32, #tpu.memory_space<vmem>>[vector<16xi32>, vector<16xi32>], vector<16xf32>,
        %scan3A_438 = arith.constant 4 : i32
        %scan3A_439 = arith.addi %scan3A_350, %scan3A_438 : i32
        %broadcast_in_dim3A_440 = vector.broadcast %scan3A_439 : i32 to vector<16xi32>
        %get3A_441 = arith.constant 1 : i32
        %get3A_442 = arith.index_cast %get3A_441 : i32 to index
        %get3A_443 = arith.index_cast %scan3A_439 : i32 to index
        %get3A_444 = arith.constant 0 : index
        %get3A_445 = tpu.vector_load %arg6[%get3A_442, %get3A_443, %get3A_444] {strides = array<i32>} : memref<4x128x32xf32, #tpu.memory_space<vmem>>, vector<16xf32>,
        %get3A_446 = arith.constant 1 : i32
        %get3A_447 = arith.index_cast %get3A_446 : i32 to index
        %get3A_448 = arith.index_cast %scan3A_439 : i32 to index
        %get3A_449 = arith.constant 16 : index
        %get3A_450 = tpu.vector_load %arg6[%get3A_447, %get3A_448, %get3A_449] {strides = array<i32>} : memref<4x128x32xf32, #tpu.memory_space<vmem>>, vector<16xf32>,
        %scatter3A_451 = arith.constant 1 : i32
        %scatter3A_452 = arith.constant 0 : i32
        %scatter3A_453 = arith.constant 0 : i32
        %scatter3A_454 = tpu.memref_slice %arg7[%scatter3A_451, %scatter3A_452, %scatter3A_453] : memref<2x32x137xf32, #tpu.memory_space<vmem>> -> memref<1x32x137xf32, #tpu.memory_space<vmem>>
        %scatter3A_455 = tpu.memref_squeeze %scatter3A_454 : memref<1x32x137xf32, #tpu.memory_space<vmem>> -> memref<32x137xf32, #tpu.memory_space<vmem>>
        tpu.vector_store_idx %scatter3A_455[%iota3A, %broadcast_in_dim3A_440], %get3A_445 : memref<32x137xf32, #tpu.memory_space<vmem>>[vector<16xi32>, vector<16xi32>], vector<16xf32>,
        %scatter3A_456 = arith.constant 1 : i32
        %scatter3A_457 = arith.constant 0 : i32
        %scatter3A_458 = arith.constant 0 : i32
        %scatter3A_459 = tpu.memref_slice %arg7[%scatter3A_456, %scatter3A_457, %scatter3A_458] : memref<2x32x137xf32, #tpu.memory_space<vmem>> -> memref<1x32x137xf32, #tpu.memory_space<vmem>>
        %scatter3A_460 = tpu.memref_squeeze %scatter3A_459 : memref<1x32x137xf32, #tpu.memory_space<vmem>> -> memref<32x137xf32, #tpu.memory_space<vmem>>
        tpu.vector_store_idx %scatter3A_460[%add3A_5, %broadcast_in_dim3A_440], %get3A_450 : memref<32x137xf32, #tpu.memory_space<vmem>>[vector<16xi32>, vector<16xi32>], vector<16xf32>,
        %scan3A_461 = arith.constant 5 : i32
        %scan3A_462 = arith.addi %scan3A_350, %scan3A_461 : i32
        %broadcast_in_dim3A_463 = vector.broadcast %scan3A_462 : i32 to vector<16xi32>
        %get3A_464 = arith.constant 1 : i32
        %get3A_465 = arith.index_cast %get3A_464 : i32 to index
        %get3A_466 = arith.index_cast %scan3A_462 : i32 to index
        %get3A_467 = arith.constant 0 : index
        %get3A_468 = tpu.vector_load %arg6[%get3A_465, %get3A_466, %get3A_467] {strides = array<i32>} : memref<4x128x32xf32, #tpu.memory_space<vmem>>, vector<16xf32>,
        %get3A_469 = arith.constant 1 : i32
        %get3A_470 = arith.index_cast %get3A_469 : i32 to index
        %get3A_471 = arith.index_cast %scan3A_462 : i32 to index
        %get3A_472 = arith.constant 16 : index
        %get3A_473 = tpu.vector_load %arg6[%get3A_470, %get3A_471, %get3A_472] {strides = array<i32>} : memref<4x128x32xf32, #tpu.memory_space<vmem>>, vector<16xf32>,
        %scatter3A_474 = arith.constant 1 : i32
        %scatter3A_475 = arith.constant 0 : i32
        %scatter3A_476 = arith.constant 0 : i32
        %scatter3A_477 = tpu.memref_slice %arg7[%scatter3A_474, %scatter3A_475, %scatter3A_476] : memref<2x32x137xf32, #tpu.memory_space<vmem>> -> memref<1x32x137xf32, #tpu.memory_space<vmem>>
        %scatter3A_478 = tpu.memref_squeeze %scatter3A_477 : memref<1x32x137xf32, #tpu.memory_space<vmem>> -> memref<32x137xf32, #tpu.memory_space<vmem>>
        tpu.vector_store_idx %scatter3A_478[%iota3A, %broadcast_in_dim3A_463], %get3A_468 : memref<32x137xf32, #tpu.memory_space<vmem>>[vector<16xi32>, vector<16xi32>], vector<16xf32>,
        %scatter3A_479 = arith.constant 1 : i32
        %scatter3A_480 = arith.constant 0 : i32
        %scatter3A_481 = arith.constant 0 : i32
        %scatter3A_482 = tpu.memref_slice %arg7[%scatter3A_479, %scatter3A_480, %scatter3A_481] : memref<2x32x137xf32, #tpu.memory_space<vmem>> -> memref<1x32x137xf32, #tpu.memory_space<vmem>>
        %scatter3A_483 = tpu.memref_squeeze %scatter3A_482 : memref<1x32x137xf32, #tpu.memory_space<vmem>> -> memref<32x137xf32, #tpu.memory_space<vmem>>
        tpu.vector_store_idx %scatter3A_483[%add3A_5, %broadcast_in_dim3A_463], %get3A_473 : memref<32x137xf32, #tpu.memory_space<vmem>>[vector<16xi32>, vector<16xi32>], vector<16xf32>,
        %scan3A_484 = arith.constant 6 : i32
        %scan3A_485 = arith.addi %scan3A_350, %scan3A_484 : i32
        %broadcast_in_dim3A_486 = vector.broadcast %scan3A_485 : i32 to vector<16xi32>
        %get3A_487 = arith.constant 1 : i32
        %get3A_488 = arith.index_cast %get3A_487 : i32 to index
        %get3A_489 = arith.index_cast %scan3A_485 : i32 to index
        %get3A_490 = arith.constant 0 : index
        %get3A_491 = tpu.vector_load %arg6[%get3A_488, %get3A_489, %get3A_490] {strides = array<i32>} : memref<4x128x32xf32, #tpu.memory_space<vmem>>, vector<16xf32>,
        %get3A_492 = arith.constant 1 : i32
        %get3A_493 = arith.index_cast %get3A_492 : i32 to index
        %get3A_494 = arith.index_cast %scan3A_485 : i32 to index
        %get3A_495 = arith.constant 16 : index
        %get3A_496 = tpu.vector_load %arg6[%get3A_493, %get3A_494, %get3A_495] {strides = array<i32>} : memref<4x128x32xf32, #tpu.memory_space<vmem>>, vector<16xf32>,
        %scatter3A_497 = arith.constant 1 : i32
        %scatter3A_498 = arith.constant 0 : i32
        %scatter3A_499 = arith.constant 0 : i32
        %scatter3A_500 = tpu.memref_slice %arg7[%scatter3A_497, %scatter3A_498, %scatter3A_499] : memref<2x32x137xf32, #tpu.memory_space<vmem>> -> memref<1x32x137xf32, #tpu.memory_space<vmem>>
        %scatter3A_501 = tpu.memref_squeeze %scatter3A_500 : memref<1x32x137xf32, #tpu.memory_space<vmem>> -> memref<32x137xf32, #tpu.memory_space<vmem>>
        tpu.vector_store_idx %scatter3A_501[%iota3A, %broadcast_in_dim3A_486], %get3A_491 : memref<32x137xf32, #tpu.memory_space<vmem>>[vector<16xi32>, vector<16xi32>], vector<16xf32>,
        %scatter3A_502 = arith.constant 1 : i32
        %scatter3A_503 = arith.constant 0 : i32
        %scatter3A_504 = arith.constant 0 : i32
        %scatter3A_505 = tpu.memref_slice %arg7[%scatter3A_502, %scatter3A_503, %scatter3A_504] : memref<2x32x137xf32, #tpu.memory_space<vmem>> -> memref<1x32x137xf32, #tpu.memory_space<vmem>>
        %scatter3A_506 = tpu.memref_squeeze %scatter3A_505 : memref<1x32x137xf32, #tpu.memory_space<vmem>> -> memref<32x137xf32, #tpu.memory_space<vmem>>
        tpu.vector_store_idx %scatter3A_506[%add3A_5, %broadcast_in_dim3A_486], %get3A_496 : memref<32x137xf32, #tpu.memory_space<vmem>>[vector<16xi32>, vector<16xi32>], vector<16xf32>,
        %scan3A_507 = arith.constant 7 : i32
        %scan3A_508 = arith.addi %scan3A_350, %scan3A_507 : i32
        %broadcast_in_dim3A_509 = vector.broadcast %scan3A_508 : i32 to vector<16xi32>
        %get3A_510 = arith.constant 1 : i32
        %get3A_511 = arith.index_cast %get3A_510 : i32 to index
        %get3A_512 = arith.index_cast %scan3A_508 : i32 to index
        %get3A_513 = arith.constant 0 : index
        %get3A_514 = tpu.vector_load %arg6[%get3A_511, %get3A_512, %get3A_513] {strides = array<i32>} : memref<4x128x32xf32, #tpu.memory_space<vmem>>, vector<16xf32>,
        %get3A_515 = arith.constant 1 : i32
        %get3A_516 = arith.index_cast %get3A_515 : i32 to index
        %get3A_517 = arith.index_cast %scan3A_508 : i32 to index
        %get3A_518 = arith.constant 16 : index
        %get3A_519 = tpu.vector_load %arg6[%get3A_516, %get3A_517, %get3A_518] {strides = array<i32>} : memref<4x128x32xf32, #tpu.memory_space<vmem>>, vector<16xf32>,
        %scatter3A_520 = arith.constant 1 : i32
        %scatter3A_521 = arith.constant 0 : i32
        %scatter3A_522 = arith.constant 0 : i32
        %scatter3A_523 = tpu.memref_slice %arg7[%scatter3A_520, %scatter3A_521, %scatter3A_522] : memref<2x32x137xf32, #tpu.memory_space<vmem>> -> memref<1x32x137xf32, #tpu.memory_space<vmem>>
        %scatter3A_524 = tpu.memref_squeeze %scatter3A_523 : memref<1x32x137xf32, #tpu.memory_space<vmem>> -> memref<32x137xf32, #tpu.memory_space<vmem>>
        tpu.vector_store_idx %scatter3A_524[%iota3A, %broadcast_in_dim3A_509], %get3A_514 : memref<32x137xf32, #tpu.memory_space<vmem>>[vector<16xi32>, vector<16xi32>], vector<16xf32>,
        %scatter3A_525 = arith.constant 1 : i32
        %scatter3A_526 = arith.constant 0 : i32
        %scatter3A_527 = arith.constant 0 : i32
        %scatter3A_528 = tpu.memref_slice %arg7[%scatter3A_525, %scatter3A_526, %scatter3A_527] : memref<2x32x137xf32, #tpu.memory_space<vmem>> -> memref<1x32x137xf32, #tpu.memory_space<vmem>>
        %scatter3A_529 = tpu.memref_squeeze %scatter3A_528 : memref<1x32x137xf32, #tpu.memory_space<vmem>> -> memref<32x137xf32, #tpu.memory_space<vmem>>
        tpu.vector_store_idx %scatter3A_529[%add3A_5, %broadcast_in_dim3A_509], %get3A_519 : memref<32x137xf32, #tpu.memory_space<vmem>>[vector<16xi32>, vector<16xi32>], vector<16xf32>,
      }
      %scan3A_188 = arith.constant 128 : i32
      %lt3A_189 = arith.constant 49 : i32
      %lt3A_190 = arith.cmpi slt, %scan3A_107, %lt3A_189 : i32
      %convert_element_type3A_191 = arith.extui %lt3A_190 : i1 to i32
      %cond3A_192 = arith.constant 0 : i32
      %cond3A_193 = arith.cmpi ne, %convert_element_type3A_191, %cond3A_192 : i32
      scf.if %cond3A_193 {
        %add3A_350 = arith.constant 4 : i32
        %add3A_351 = arith.addi %mul3A_109, %add3A_350 : i32
        %add3A_352 = arith.constant 1 : i32
        %add3A_353 = arith.addi %add3A_351, %add3A_352 : i32
        %dma_start3A_354 = arith.constant 1 : i32
        %dma_start3A_355 = arith.constant 1 : i32
        %dma_start3A_356 = arith.constant 0 : i32
        %dma_start3A_357 = arith.constant 0 : i32
        %dma_start3A_358 = tpu.memref_slice %arg6[%dma_start3A_354, %dma_start3A_356, %dma_start3A_357] : memref<4x128x32xf32, #tpu.memory_space<vmem>> -> memref<1x128x32xf32, #tpu.memory_space<vmem>>
        %dma_start3A_359 = tpu.memref_squeeze %dma_start3A_358 : memref<1x128x32xf32, #tpu.memory_space<vmem>> -> memref<128x32xf32, #tpu.memory_space<vmem>>
        %dma_start3A_360 = arith.constant 0 : i32
        %dma_start3A_361 = tpu.memref_slice %arg5[%add3A_353, %dma_start3A_360] : memref<200x128xi32, #tpu.memory_space<vmem>> -> memref<1x128xi32, #tpu.memory_space<vmem>>
        %dma_start3A_362 = tpu.memref_squeeze %dma_start3A_361 : memref<1x128xi32, #tpu.memory_space<vmem>> -> memref<128xi32, #tpu.memory_space<vmem>>
        %dma_start3A_363 = arith.constant 0 : i32
        %dma_start3A_364 = arith.constant 0 : i32
        %dma_start3A_365 = tpu.memref_slice %arg3[%dma_start3A_363, %dma_start3A_364] : memref<1000000x32xf32, #tpu.memory_space<hbm>> -> memref<1000000x32xf32, #tpu.memory_space<hbm>>
        %dma_start3A_366 = tpu.memref_slice %arg8[%dma_start3A_355] : memref<4x!tpu.dma_semaphore, #tpu.memory_space<semaphore_mem>> -> memref<1x!tpu.dma_semaphore, #tpu.memory_space<semaphore_mem>>
        %dma_start3A_367 = tpu.memref_squeeze %dma_start3A_366 : memref<1x!tpu.dma_semaphore, #tpu.memory_space<semaphore_mem>> -> memref<!tpu.dma_semaphore, #tpu.memory_space<semaphore_mem>>
        tpu.enqueue_indirect_dma source(%dma_start3A_365 : memref<1000000x32xf32, #tpu.memory_space<hbm>>) target(%dma_start3A_359 : memref<128x32xf32, #tpu.memory_space<vmem>>) offsets(%dma_start3A_362 : memref<128xi32, #tpu.memory_space<vmem>>) semaphore(%dma_start3A_367 : memref<!tpu.dma_semaphore, #tpu.memory_space<semaphore_mem>>)
      } else {
      }
      %add3A_194 = arith.constant 1 : i32
      %add3A_195 = arith.addi %mul3A_109, %add3A_194 : i32
      %dma_start3A_196 = arith.constant 1 : i32
      %dma_start3A_197 = arith.constant 1 : i32
      %dma_start3A_198 = arith.constant 0 : i32
      %dma_start3A_199 = arith.constant 0 : i32
      %dma_start3A_200 = tpu.memref_slice %arg7[%dma_start3A_196, %dma_start3A_198, %dma_start3A_199] : memref<2x32x137xf32, #tpu.memory_space<vmem>> -> memref<1x32x128xf32, #tpu.memory_space<vmem>>
      %dma_start3A_201 = tpu.memref_squeeze %dma_start3A_200 : memref<1x32x128xf32, #tpu.memory_space<vmem>> -> memref<32x128xf32, #tpu.memory_space<vmem>>
      %dma_start3A_202 = arith.constant 0 : i32
      %dma_start3A_203 = tpu.memref_slice %arg4[%add3A_195, %dma_start3A_202, %mul3A_2] : memref<200x32x4096xf32, #tpu.memory_space<hbm>> -> memref<1x32x128xf32, #tpu.memory_space<hbm>>
      %dma_start3A_204 = tpu.memref_squeeze %dma_start3A_203 : memref<1x32x128xf32, #tpu.memory_space<hbm>> -> memref<32x128xf32, #tpu.memory_space<hbm>>
      %dma_start3A_205 = tpu.memref_slice %arg9[%dma_start3A_197] : memref<2x!tpu.dma_semaphore, #tpu.memory_space<semaphore_mem>> -> memref<1x!tpu.dma_semaphore, #tpu.memory_space<semaphore_mem>>
      %dma_start3A_206 = tpu.memref_squeeze %dma_start3A_205 : memref<1x!tpu.dma_semaphore, #tpu.memory_space<semaphore_mem>> -> memref<!tpu.dma_semaphore, #tpu.memory_space<semaphore_mem>>
      %dma_start3A_207 = arith.constant 0 : i32
      %dma_start3A_208 = tpu.memref_slice %arg4[%add3A_195, %dma_start3A_207, %mul3A_2] : memref<200x32x4096xf32, #tpu.memory_space<hbm>> -> memref<1x32x128xf32, #tpu.memory_space<hbm>>
      %dma_start3A_209 = tpu.memref_squeeze %dma_start3A_208 : memref<1x32x128xf32, #tpu.memory_space<hbm>> -> memref<32x128xf32, #tpu.memory_space<hbm>>
      %dma_start3A_210 = arith.constant 0 : i32
      %dma_start3A_211 = arith.constant 0 : i32
      %dma_start3A_212 = tpu.memref_slice %arg7[%dma_start3A_196, %dma_start3A_210, %dma_start3A_211] : memref<2x32x137xf32, #tpu.memory_space<vmem>> -> memref<1x32x128xf32, #tpu.memory_space<vmem>>
      %dma_start3A_213 = tpu.memref_squeeze %dma_start3A_212 : memref<1x32x128xf32, #tpu.memory_space<vmem>> -> memref<32x128xf32, #tpu.memory_space<vmem>>
      tpu.enqueue_dma source(%dma_start3A_213 : memref<32x128xf32, #tpu.memory_space<vmem>>) target(%dma_start3A_209 : memref<32x128xf32, #tpu.memory_space<hbm>>) target_semaphore(%dma_start3A_206 : memref<!tpu.dma_semaphore, #tpu.memory_space<semaphore_mem>>)
      %dma_wait3A_214 = arith.constant 2 : i32
      %dma_wait3A_215 = arith.constant 2 : i32
      %dma_wait3A_216 = arith.constant 0 : i32
      %dma_wait3A_217 = arith.constant 0 : i32
      %dma_wait3A_218 = tpu.memref_slice %arg6[%dma_wait3A_214, %dma_wait3A_216, %dma_wait3A_217] : memref<4x128x32xf32, #tpu.memory_space<vmem>> -> memref<1x128x32xf32, #tpu.memory_space<vmem>>
      %dma_wait3A_219 = tpu.memref_squeeze %dma_wait3A_218 : memref<1x128x32xf32, #tpu.memory_space<vmem>> -> memref<128x32xf32, #tpu.memory_space<vmem>>
      %dma_wait3A_220 = arith.constant 0 : i32
      %dma_wait3A_221 = arith.constant 0 : i32
      %dma_wait3A_222 = tpu.memref_slice %arg3[%dma_wait3A_220, %dma_wait3A_221] : memref<1000000x32xf32, #tpu.memory_space<hbm>> -> memref<128x32xf32, #tpu.memory_space<hbm>>
      %dma_wait3A_223 = tpu.memref_slice %arg8[%dma_wait3A_215] : memref<4x!tpu.dma_semaphore, #tpu.memory_space<semaphore_mem>> -> memref<1x!tpu.dma_semaphore, #tpu.memory_space<semaphore_mem>>
      %dma_wait3A_224 = tpu.memref_squeeze %dma_wait3A_223 : memref<1x!tpu.dma_semaphore, #tpu.memory_space<semaphore_mem>> -> memref<!tpu.dma_semaphore, #tpu.memory_space<semaphore_mem>>
      %dma_wait3A_225 = arith.constant 0 : i32
      %dma_wait3A_226 = arith.constant 0 : i32
      %dma_wait3A_227 = tpu.memref_slice %arg6[%dma_wait3A_214, %dma_wait3A_225, %dma_wait3A_226] : memref<4x128x32xf32, #tpu.memory_space<vmem>> -> memref<1x128x32xf32, #tpu.memory_space<vmem>>
      %dma_wait3A_228 = tpu.memref_squeeze %dma_wait3A_227 : memref<1x128x32xf32, #tpu.memory_space<vmem>> -> memref<128x32xf32, #tpu.memory_space<vmem>>
      %dma_wait3A_229 = arith.constant 0 : i32
      %dma_wait3A_230 = arith.constant 0 : i32
      %dma_wait3A_231 = tpu.memref_slice %arg3[%dma_wait3A_229, %dma_wait3A_230] : memref<1000000x32xf32, #tpu.memory_space<hbm>> -> memref<128x32xf32, #tpu.memory_space<hbm>>
      tpu.wait_dma2 semaphore(%dma_wait3A_224 : memref<!tpu.dma_semaphore, #tpu.memory_space<semaphore_mem>>) src(%dma_wait3A_231 : memref<128x32xf32, #tpu.memory_space<hbm>>) dst(%dma_wait3A_228 : memref<128x32xf32, #tpu.memory_space<vmem>>)
      %dma_wait3A_232 = arith.constant 0 : i32
      %dma_wait3A_233 = arith.constant 0 : i32
      %dma_wait3A_234 = arith.constant 0 : i32
      %dma_wait3A_235 = arith.constant 0 : i32
      %dma_wait3A_236 = arith.constant 0 : i32
      %dma_wait3A_237 = tpu.memref_slice %arg7[%dma_wait3A_232, %dma_wait3A_235, %dma_wait3A_236] : memref<2x32x137xf32, #tpu.memory_space<vmem>> -> memref<1x32x128xf32, #tpu.memory_space<vmem>>
      %dma_wait3A_238 = tpu.memref_squeeze %dma_wait3A_237 : memref<1x32x128xf32, #tpu.memory_space<vmem>> -> memref<32x128xf32, #tpu.memory_space<vmem>>
      %dma_wait3A_239 = arith.constant 0 : i32
      %dma_wait3A_240 = tpu.memref_slice %arg4[%dma_wait3A_233, %dma_wait3A_239, %mul3A_2] : memref<200x32x4096xf32, #tpu.memory_space<hbm>> -> memref<1x32x128xf32, #tpu.memory_space<hbm>>
      %dma_wait3A_241 = tpu.memref_squeeze %dma_wait3A_240 : memref<1x32x128xf32, #tpu.memory_space<hbm>> -> memref<32x128xf32, #tpu.memory_space<hbm>>
      %dma_wait3A_242 = tpu.memref_slice %arg9[%dma_wait3A_234] : memref<2x!tpu.dma_semaphore, #tpu.memory_space<semaphore_mem>> -> memref<1x!tpu.dma_semaphore, #tpu.memory_space<semaphore_mem>>
      %dma_wait3A_243 = tpu.memref_squeeze %dma_wait3A_242 : memref<1x!tpu.dma_semaphore, #tpu.memory_space<semaphore_mem>> -> memref<!tpu.dma_semaphore, #tpu.memory_space<semaphore_mem>>
      %dma_wait3A_244 = arith.constant 0 : i32
      %dma_wait3A_245 = tpu.memref_slice %arg4[%dma_wait3A_233, %dma_wait3A_244, %mul3A_2] : memref<200x32x4096xf32, #tpu.memory_space<hbm>> -> memref<1x32x128xf32, #tpu.memory_space<hbm>>
      %dma_wait3A_246 = tpu.memref_squeeze %dma_wait3A_245 : memref<1x32x128xf32, #tpu.memory_space<hbm>> -> memref<32x128xf32, #tpu.memory_space<hbm>>
      %dma_wait3A_247 = arith.constant 0 : i32
      %dma_wait3A_248 = arith.constant 0 : i32
      %dma_wait3A_249 = tpu.memref_slice %arg7[%dma_wait3A_232, %dma_wait3A_247, %dma_wait3A_248] : memref<2x32x137xf32, #tpu.memory_space<vmem>> -> memref<1x32x128xf32, #tpu.memory_space<vmem>>
      %dma_wait3A_250 = tpu.memref_squeeze %dma_wait3A_249 : memref<1x32x128xf32, #tpu.memory_space<vmem>> -> memref<32x128xf32, #tpu.memory_space<vmem>>
      tpu.wait_dma2 semaphore(%dma_wait3A_243 : memref<!tpu.dma_semaphore, #tpu.memory_space<semaphore_mem>>) src(%dma_wait3A_250 : memref<32x128xf32, #tpu.memory_space<vmem>>) dst(%dma_wait3A_246 : memref<32x128xf32, #tpu.memory_space<hbm>>)
      %scan3A_251 = arith.constant 0 : i32
      %scan3A_252 = arith.constant 0 : i32
      %scan3A_253 = arith.constant 128 : i32
      %scan3A_254 = arith.addi %scan3A_252, %scan3A_253 : i32
      %scan3A_255 = arith.constant 8 : i32
      scf.for %scan3A_350 = %scan3A_252 to %scan3A_254 step %scan3A_255  : i32 {
        %broadcast_in_dim3A = vector.broadcast %scan3A_350 : i32 to vector<16xi32>
        %get3A = arith.constant 2 : i32
        %get3A_351 = arith.index_cast %get3A : i32 to index
        %get3A_352 = arith.index_cast %scan3A_350 : i32 to index
        %get3A_353 = arith.constant 0 : index
        %get3A_354 = tpu.vector_load %arg6[%get3A_351, %get3A_352, %get3A_353] {strides = array<i32>} : memref<4x128x32xf32, #tpu.memory_space<vmem>>, vector<16xf32>,
        %get3A_355 = arith.constant 2 : i32
        %get3A_356 = arith.index_cast %get3A_355 : i32 to index
        %get3A_357 = arith.index_cast %scan3A_350 : i32 to index
        %get3A_358 = arith.constant 16 : index
        %get3A_359 = tpu.vector_load %arg6[%get3A_356, %get3A_357, %get3A_358] {strides = array<i32>} : memref<4x128x32xf32, #tpu.memory_space<vmem>>, vector<16xf32>,
        %scatter3A = arith.constant 0 : i32
        %scatter3A_360 = arith.constant 0 : i32
        %scatter3A_361 = arith.constant 0 : i32
        %scatter3A_362 = tpu.memref_slice %arg7[%scatter3A, %scatter3A_360, %scatter3A_361] : memref<2x32x137xf32, #tpu.memory_space<vmem>> -> memref<1x32x137xf32, #tpu.memory_space<vmem>>
        %scatter3A_363 = tpu.memref_squeeze %scatter3A_362 : memref<1x32x137xf32, #tpu.memory_space<vmem>> -> memref<32x137xf32, #tpu.memory_space<vmem>>
        tpu.vector_store_idx %scatter3A_363[%iota3A, %broadcast_in_dim3A], %get3A_354 : memref<32x137xf32, #tpu.memory_space<vmem>>[vector<16xi32>, vector<16xi32>], vector<16xf32>,
        %scatter3A_364 = arith.constant 0 : i32
        %scatter3A_365 = arith.constant 0 : i32
        %scatter3A_366 = arith.constant 0 : i32
        %scatter3A_367 = tpu.memref_slice %arg7[%scatter3A_364, %scatter3A_365, %scatter3A_366] : memref<2x32x137xf32, #tpu.memory_space<vmem>> -> memref<1x32x137xf32, #tpu.memory_space<vmem>>
        %scatter3A_368 = tpu.memref_squeeze %scatter3A_367 : memref<1x32x137xf32, #tpu.memory_space<vmem>> -> memref<32x137xf32, #tpu.memory_space<vmem>>
        tpu.vector_store_idx %scatter3A_368[%add3A_5, %broadcast_in_dim3A], %get3A_359 : memref<32x137xf32, #tpu.memory_space<vmem>>[vector<16xi32>, vector<16xi32>], vector<16xf32>,
        %scan3A_369 = arith.constant 1 : i32
        %scan3A_370 = arith.addi %scan3A_350, %scan3A_369 : i32
        %broadcast_in_dim3A_371 = vector.broadcast %scan3A_370 : i32 to vector<16xi32>
        %get3A_372 = arith.constant 2 : i32
        %get3A_373 = arith.index_cast %get3A_372 : i32 to index
        %get3A_374 = arith.index_cast %scan3A_370 : i32 to index
        %get3A_375 = arith.constant 0 : index
        %get3A_376 = tpu.vector_load %arg6[%get3A_373, %get3A_374, %get3A_375] {strides = array<i32>} : memref<4x128x32xf32, #tpu.memory_space<vmem>>, vector<16xf32>,
        %get3A_377 = arith.constant 2 : i32
        %get3A_378 = arith.index_cast %get3A_377 : i32 to index
        %get3A_379 = arith.index_cast %scan3A_370 : i32 to index
        %get3A_380 = arith.constant 16 : index
        %get3A_381 = tpu.vector_load %arg6[%get3A_378, %get3A_379, %get3A_380] {strides = array<i32>} : memref<4x128x32xf32, #tpu.memory_space<vmem>>, vector<16xf32>,
        %scatter3A_382 = arith.constant 0 : i32
        %scatter3A_383 = arith.constant 0 : i32
        %scatter3A_384 = arith.constant 0 : i32
        %scatter3A_385 = tpu.memref_slice %arg7[%scatter3A_382, %scatter3A_383, %scatter3A_384] : memref<2x32x137xf32, #tpu.memory_space<vmem>> -> memref<1x32x137xf32, #tpu.memory_space<vmem>>
        %scatter3A_386 = tpu.memref_squeeze %scatter3A_385 : memref<1x32x137xf32, #tpu.memory_space<vmem>> -> memref<32x137xf32, #tpu.memory_space<vmem>>
        tpu.vector_store_idx %scatter3A_386[%iota3A, %broadcast_in_dim3A_371], %get3A_376 : memref<32x137xf32, #tpu.memory_space<vmem>>[vector<16xi32>, vector<16xi32>], vector<16xf32>,
        %scatter3A_387 = arith.constant 0 : i32
        %scatter3A_388 = arith.constant 0 : i32
        %scatter3A_389 = arith.constant 0 : i32
        %scatter3A_390 = tpu.memref_slice %arg7[%scatter3A_387, %scatter3A_388, %scatter3A_389] : memref<2x32x137xf32, #tpu.memory_space<vmem>> -> memref<1x32x137xf32, #tpu.memory_space<vmem>>
        %scatter3A_391 = tpu.memref_squeeze %scatter3A_390 : memref<1x32x137xf32, #tpu.memory_space<vmem>> -> memref<32x137xf32, #tpu.memory_space<vmem>>
        tpu.vector_store_idx %scatter3A_391[%add3A_5, %broadcast_in_dim3A_371], %get3A_381 : memref<32x137xf32, #tpu.memory_space<vmem>>[vector<16xi32>, vector<16xi32>], vector<16xf32>,
        %scan3A_392 = arith.constant 2 : i32
        %scan3A_393 = arith.addi %scan3A_350, %scan3A_392 : i32
        %broadcast_in_dim3A_394 = vector.broadcast %scan3A_393 : i32 to vector<16xi32>
        %get3A_395 = arith.constant 2 : i32
        %get3A_396 = arith.index_cast %get3A_395 : i32 to index
        %get3A_397 = arith.index_cast %scan3A_393 : i32 to index
        %get3A_398 = arith.constant 0 : index
        %get3A_399 = tpu.vector_load %arg6[%get3A_396, %get3A_397, %get3A_398] {strides = array<i32>} : memref<4x128x32xf32, #tpu.memory_space<vmem>>, vector<16xf32>,
        %get3A_400 = arith.constant 2 : i32
        %get3A_401 = arith.index_cast %get3A_400 : i32 to index
        %get3A_402 = arith.index_cast %scan3A_393 : i32 to index
        %get3A_403 = arith.constant 16 : index
        %get3A_404 = tpu.vector_load %arg6[%get3A_401, %get3A_402, %get3A_403] {strides = array<i32>} : memref<4x128x32xf32, #tpu.memory_space<vmem>>, vector<16xf32>,
        %scatter3A_405 = arith.constant 0 : i32
        %scatter3A_406 = arith.constant 0 : i32
        %scatter3A_407 = arith.constant 0 : i32
        %scatter3A_408 = tpu.memref_slice %arg7[%scatter3A_405, %scatter3A_406, %scatter3A_407] : memref<2x32x137xf32, #tpu.memory_space<vmem>> -> memref<1x32x137xf32, #tpu.memory_space<vmem>>
        %scatter3A_409 = tpu.memref_squeeze %scatter3A_408 : memref<1x32x137xf32, #tpu.memory_space<vmem>> -> memref<32x137xf32, #tpu.memory_space<vmem>>
        tpu.vector_store_idx %scatter3A_409[%iota3A, %broadcast_in_dim3A_394], %get3A_399 : memref<32x137xf32, #tpu.memory_space<vmem>>[vector<16xi32>, vector<16xi32>], vector<16xf32>,
        %scatter3A_410 = arith.constant 0 : i32
        %scatter3A_411 = arith.constant 0 : i32
        %scatter3A_412 = arith.constant 0 : i32
        %scatter3A_413 = tpu.memref_slice %arg7[%scatter3A_410, %scatter3A_411, %scatter3A_412] : memref<2x32x137xf32, #tpu.memory_space<vmem>> -> memref<1x32x137xf32, #tpu.memory_space<vmem>>
        %scatter3A_414 = tpu.memref_squeeze %scatter3A_413 : memref<1x32x137xf32, #tpu.memory_space<vmem>> -> memref<32x137xf32, #tpu.memory_space<vmem>>
        tpu.vector_store_idx %scatter3A_414[%add3A_5, %broadcast_in_dim3A_394], %get3A_404 : memref<32x137xf32, #tpu.memory_space<vmem>>[vector<16xi32>, vector<16xi32>], vector<16xf32>,
        %scan3A_415 = arith.constant 3 : i32
        %scan3A_416 = arith.addi %scan3A_350, %scan3A_415 : i32
        %broadcast_in_dim3A_417 = vector.broadcast %scan3A_416 : i32 to vector<16xi32>
        %get3A_418 = arith.constant 2 : i32
        %get3A_419 = arith.index_cast %get3A_418 : i32 to index
        %get3A_420 = arith.index_cast %scan3A_416 : i32 to index
        %get3A_421 = arith.constant 0 : index
        %get3A_422 = tpu.vector_load %arg6[%get3A_419, %get3A_420, %get3A_421] {strides = array<i32>} : memref<4x128x32xf32, #tpu.memory_space<vmem>>, vector<16xf32>,
        %get3A_423 = arith.constant 2 : i32
        %get3A_424 = arith.index_cast %get3A_423 : i32 to index
        %get3A_425 = arith.index_cast %scan3A_416 : i32 to index
        %get3A_426 = arith.constant 16 : index
        %get3A_427 = tpu.vector_load %arg6[%get3A_424, %get3A_425, %get3A_426] {strides = array<i32>} : memref<4x128x32xf32, #tpu.memory_space<vmem>>, vector<16xf32>,
        %scatter3A_428 = arith.constant 0 : i32
        %scatter3A_429 = arith.constant 0 : i32
        %scatter3A_430 = arith.constant 0 : i32
        %scatter3A_431 = tpu.memref_slice %arg7[%scatter3A_428, %scatter3A_429, %scatter3A_430] : memref<2x32x137xf32, #tpu.memory_space<vmem>> -> memref<1x32x137xf32, #tpu.memory_space<vmem>>
        %scatter3A_432 = tpu.memref_squeeze %scatter3A_431 : memref<1x32x137xf32, #tpu.memory_space<vmem>> -> memref<32x137xf32, #tpu.memory_space<vmem>>
        tpu.vector_store_idx %scatter3A_432[%iota3A, %broadcast_in_dim3A_417], %get3A_422 : memref<32x137xf32, #tpu.memory_space<vmem>>[vector<16xi32>, vector<16xi32>], vector<16xf32>,
        %scatter3A_433 = arith.constant 0 : i32
        %scatter3A_434 = arith.constant 0 : i32
        %scatter3A_435 = arith.constant 0 : i32
        %scatter3A_436 = tpu.memref_slice %arg7[%scatter3A_433, %scatter3A_434, %scatter3A_435] : memref<2x32x137xf32, #tpu.memory_space<vmem>> -> memref<1x32x137xf32, #tpu.memory_space<vmem>>
        %scatter3A_437 = tpu.memref_squeeze %scatter3A_436 : memref<1x32x137xf32, #tpu.memory_space<vmem>> -> memref<32x137xf32, #tpu.memory_space<vmem>>
        tpu.vector_store_idx %scatter3A_437[%add3A_5, %broadcast_in_dim3A_417], %get3A_427 : memref<32x137xf32, #tpu.memory_space<vmem>>[vector<16xi32>, vector<16xi32>], vector<16xf32>,
        %scan3A_438 = arith.constant 4 : i32
        %scan3A_439 = arith.addi %scan3A_350, %scan3A_438 : i32
        %broadcast_in_dim3A_440 = vector.broadcast %scan3A_439 : i32 to vector<16xi32>
        %get3A_441 = arith.constant 2 : i32
        %get3A_442 = arith.index_cast %get3A_441 : i32 to index
        %get3A_443 = arith.index_cast %scan3A_439 : i32 to index
        %get3A_444 = arith.constant 0 : index
        %get3A_445 = tpu.vector_load %arg6[%get3A_442, %get3A_443, %get3A_444] {strides = array<i32>} : memref<4x128x32xf32, #tpu.memory_space<vmem>>, vector<16xf32>,
        %get3A_446 = arith.constant 2 : i32
        %get3A_447 = arith.index_cast %get3A_446 : i32 to index
        %get3A_448 = arith.index_cast %scan3A_439 : i32 to index
        %get3A_449 = arith.constant 16 : index
        %get3A_450 = tpu.vector_load %arg6[%get3A_447, %get3A_448, %get3A_449] {strides = array<i32>} : memref<4x128x32xf32, #tpu.memory_space<vmem>>, vector<16xf32>,
        %scatter3A_451 = arith.constant 0 : i32
        %scatter3A_452 = arith.constant 0 : i32
        %scatter3A_453 = arith.constant 0 : i32
        %scatter3A_454 = tpu.memref_slice %arg7[%scatter3A_451, %scatter3A_452, %scatter3A_453] : memref<2x32x137xf32, #tpu.memory_space<vmem>> -> memref<1x32x137xf32, #tpu.memory_space<vmem>>
        %scatter3A_455 = tpu.memref_squeeze %scatter3A_454 : memref<1x32x137xf32, #tpu.memory_space<vmem>> -> memref<32x137xf32, #tpu.memory_space<vmem>>
        tpu.vector_store_idx %scatter3A_455[%iota3A, %broadcast_in_dim3A_440], %get3A_445 : memref<32x137xf32, #tpu.memory_space<vmem>>[vector<16xi32>, vector<16xi32>], vector<16xf32>,
        %scatter3A_456 = arith.constant 0 : i32
        %scatter3A_457 = arith.constant 0 : i32
        %scatter3A_458 = arith.constant 0 : i32
        %scatter3A_459 = tpu.memref_slice %arg7[%scatter3A_456, %scatter3A_457, %scatter3A_458] : memref<2x32x137xf32, #tpu.memory_space<vmem>> -> memref<1x32x137xf32, #tpu.memory_space<vmem>>
        %scatter3A_460 = tpu.memref_squeeze %scatter3A_459 : memref<1x32x137xf32, #tpu.memory_space<vmem>> -> memref<32x137xf32, #tpu.memory_space<vmem>>
        tpu.vector_store_idx %scatter3A_460[%add3A_5, %broadcast_in_dim3A_440], %get3A_450 : memref<32x137xf32, #tpu.memory_space<vmem>>[vector<16xi32>, vector<16xi32>], vector<16xf32>,
        %scan3A_461 = arith.constant 5 : i32
        %scan3A_462 = arith.addi %scan3A_350, %scan3A_461 : i32
        %broadcast_in_dim3A_463 = vector.broadcast %scan3A_462 : i32 to vector<16xi32>
        %get3A_464 = arith.constant 2 : i32
        %get3A_465 = arith.index_cast %get3A_464 : i32 to index
        %get3A_466 = arith.index_cast %scan3A_462 : i32 to index
        %get3A_467 = arith.constant 0 : index
        %get3A_468 = tpu.vector_load %arg6[%get3A_465, %get3A_466, %get3A_467] {strides = array<i32>} : memref<4x128x32xf32, #tpu.memory_space<vmem>>, vector<16xf32>,
        %get3A_469 = arith.constant 2 : i32
        %get3A_470 = arith.index_cast %get3A_469 : i32 to index
        %get3A_471 = arith.index_cast %scan3A_462 : i32 to index
        %get3A_472 = arith.constant 16 : index
        %get3A_473 = tpu.vector_load %arg6[%get3A_470, %get3A_471, %get3A_472] {strides = array<i32>} : memref<4x128x32xf32, #tpu.memory_space<vmem>>, vector<16xf32>,
        %scatter3A_474 = arith.constant 0 : i32
        %scatter3A_475 = arith.constant 0 : i32
        %scatter3A_476 = arith.constant 0 : i32
        %scatter3A_477 = tpu.memref_slice %arg7[%scatter3A_474, %scatter3A_475, %scatter3A_476] : memref<2x32x137xf32, #tpu.memory_space<vmem>> -> memref<1x32x137xf32, #tpu.memory_space<vmem>>
        %scatter3A_478 = tpu.memref_squeeze %scatter3A_477 : memref<1x32x137xf32, #tpu.memory_space<vmem>> -> memref<32x137xf32, #tpu.memory_space<vmem>>
        tpu.vector_store_idx %scatter3A_478[%iota3A, %broadcast_in_dim3A_463], %get3A_468 : memref<32x137xf32, #tpu.memory_space<vmem>>[vector<16xi32>, vector<16xi32>], vector<16xf32>,
        %scatter3A_479 = arith.constant 0 : i32
        %scatter3A_480 = arith.constant 0 : i32
        %scatter3A_481 = arith.constant 0 : i32
        %scatter3A_482 = tpu.memref_slice %arg7[%scatter3A_479, %scatter3A_480, %scatter3A_481] : memref<2x32x137xf32, #tpu.memory_space<vmem>> -> memref<1x32x137xf32, #tpu.memory_space<vmem>>
        %scatter3A_483 = tpu.memref_squeeze %scatter3A_482 : memref<1x32x137xf32, #tpu.memory_space<vmem>> -> memref<32x137xf32, #tpu.memory_space<vmem>>
        tpu.vector_store_idx %scatter3A_483[%add3A_5, %broadcast_in_dim3A_463], %get3A_473 : memref<32x137xf32, #tpu.memory_space<vmem>>[vector<16xi32>, vector<16xi32>], vector<16xf32>,
        %scan3A_484 = arith.constant 6 : i32
        %scan3A_485 = arith.addi %scan3A_350, %scan3A_484 : i32
        %broadcast_in_dim3A_486 = vector.broadcast %scan3A_485 : i32 to vector<16xi32>
        %get3A_487 = arith.constant 2 : i32
        %get3A_488 = arith.index_cast %get3A_487 : i32 to index
        %get3A_489 = arith.index_cast %scan3A_485 : i32 to index
        %get3A_490 = arith.constant 0 : index
        %get3A_491 = tpu.vector_load %arg6[%get3A_488, %get3A_489, %get3A_490] {strides = array<i32>} : memref<4x128x32xf32, #tpu.memory_space<vmem>>, vector<16xf32>,
        %get3A_492 = arith.constant 2 : i32
        %get3A_493 = arith.index_cast %get3A_492 : i32 to index
        %get3A_494 = arith.index_cast %scan3A_485 : i32 to index
        %get3A_495 = arith.constant 16 : index
        %get3A_496 = tpu.vector_load %arg6[%get3A_493, %get3A_494, %get3A_495] {strides = array<i32>} : memref<4x128x32xf32, #tpu.memory_space<vmem>>, vector<16xf32>,
        %scatter3A_497 = arith.constant 0 : i32
        %scatter3A_498 = arith.constant 0 : i32
        %scatter3A_499 = arith.constant 0 : i32
        %scatter3A_500 = tpu.memref_slice %arg7[%scatter3A_497, %scatter3A_498, %scatter3A_499] : memref<2x32x137xf32, #tpu.memory_space<vmem>> -> memref<1x32x137xf32, #tpu.memory_space<vmem>>
        %scatter3A_501 = tpu.memref_squeeze %scatter3A_500 : memref<1x32x137xf32, #tpu.memory_space<vmem>> -> memref<32x137xf32, #tpu.memory_space<vmem>>
        tpu.vector_store_idx %scatter3A_501[%iota3A, %broadcast_in_dim3A_486], %get3A_491 : memref<32x137xf32, #tpu.memory_space<vmem>>[vector<16xi32>, vector<16xi32>], vector<16xf32>,
        %scatter3A_502 = arith.constant 0 : i32
        %scatter3A_503 = arith.constant 0 : i32
        %scatter3A_504 = arith.constant 0 : i32
        %scatter3A_505 = tpu.memref_slice %arg7[%scatter3A_502, %scatter3A_503, %scatter3A_504] : memref<2x32x137xf32, #tpu.memory_space<vmem>> -> memref<1x32x137xf32, #tpu.memory_space<vmem>>
        %scatter3A_506 = tpu.memref_squeeze %scatter3A_505 : memref<1x32x137xf32, #tpu.memory_space<vmem>> -> memref<32x137xf32, #tpu.memory_space<vmem>>
        tpu.vector_store_idx %scatter3A_506[%add3A_5, %broadcast_in_dim3A_486], %get3A_496 : memref<32x137xf32, #tpu.memory_space<vmem>>[vector<16xi32>, vector<16xi32>], vector<16xf32>,
        %scan3A_507 = arith.constant 7 : i32
        %scan3A_508 = arith.addi %scan3A_350, %scan3A_507 : i32
        %broadcast_in_dim3A_509 = vector.broadcast %scan3A_508 : i32 to vector<16xi32>
        %get3A_510 = arith.constant 2 : i32
        %get3A_511 = arith.index_cast %get3A_510 : i32 to index
        %get3A_512 = arith.index_cast %scan3A_508 : i32 to index
        %get3A_513 = arith.constant 0 : index
        %get3A_514 = tpu.vector_load %arg6[%get3A_511, %get3A_512, %get3A_513] {strides = array<i32>} : memref<4x128x32xf32, #tpu.memory_space<vmem>>, vector<16xf32>,
        %get3A_515 = arith.constant 2 : i32
        %get3A_516 = arith.index_cast %get3A_515 : i32 to index
        %get3A_517 = arith.index_cast %scan3A_508 : i32 to index
        %get3A_518 = arith.constant 16 : index
        %get3A_519 = tpu.vector_load %arg6[%get3A_516, %get3A_517, %get3A_518] {strides = array<i32>} : memref<4x128x32xf32, #tpu.memory_space<vmem>>, vector<16xf32>,
        %scatter3A_520 = arith.constant 0 : i32
        %scatter3A_521 = arith.constant 0 : i32
        %scatter3A_522 = arith.constant 0 : i32
        %scatter3A_523 = tpu.memref_slice %arg7[%scatter3A_520, %scatter3A_521, %scatter3A_522] : memref<2x32x137xf32, #tpu.memory_space<vmem>> -> memref<1x32x137xf32, #tpu.memory_space<vmem>>
        %scatter3A_524 = tpu.memref_squeeze %scatter3A_523 : memref<1x32x137xf32, #tpu.memory_space<vmem>> -> memref<32x137xf32, #tpu.memory_space<vmem>>
        tpu.vector_store_idx %scatter3A_524[%iota3A, %broadcast_in_dim3A_509], %get3A_514 : memref<32x137xf32, #tpu.memory_space<vmem>>[vector<16xi32>, vector<16xi32>], vector<16xf32>,
        %scatter3A_525 = arith.constant 0 : i32
        %scatter3A_526 = arith.constant 0 : i32
        %scatter3A_527 = arith.constant 0 : i32
        %scatter3A_528 = tpu.memref_slice %arg7[%scatter3A_525, %scatter3A_526, %scatter3A_527] : memref<2x32x137xf32, #tpu.memory_space<vmem>> -> memref<1x32x137xf32, #tpu.memory_space<vmem>>
        %scatter3A_529 = tpu.memref_squeeze %scatter3A_528 : memref<1x32x137xf32, #tpu.memory_space<vmem>> -> memref<32x137xf32, #tpu.memory_space<vmem>>
        tpu.vector_store_idx %scatter3A_529[%add3A_5, %broadcast_in_dim3A_509], %get3A_519 : memref<32x137xf32, #tpu.memory_space<vmem>>[vector<16xi32>, vector<16xi32>], vector<16xf32>,
      }
      %scan3A_256 = arith.constant 128 : i32
      %lt3A_257 = arith.constant 49 : i32
      %lt3A_258 = arith.cmpi slt, %scan3A_107, %lt3A_257 : i32
      %convert_element_type3A_259 = arith.extui %lt3A_258 : i1 to i32
      %cond3A_260 = arith.constant 0 : i32
      %cond3A_261 = arith.cmpi ne, %convert_element_type3A_259, %cond3A_260 : i32
      scf.if %cond3A_261 {
        %add3A_350 = arith.constant 4 : i32
        %add3A_351 = arith.addi %mul3A_109, %add3A_350 : i32
        %add3A_352 = arith.constant 2 : i32
        %add3A_353 = arith.addi %add3A_351, %add3A_352 : i32
        %dma_start3A_354 = arith.constant 2 : i32
        %dma_start3A_355 = arith.constant 2 : i32
        %dma_start3A_356 = arith.constant 0 : i32
        %dma_start3A_357 = arith.constant 0 : i32
        %dma_start3A_358 = tpu.memref_slice %arg6[%dma_start3A_354, %dma_start3A_356, %dma_start3A_357] : memref<4x128x32xf32, #tpu.memory_space<vmem>> -> memref<1x128x32xf32, #tpu.memory_space<vmem>>
        %dma_start3A_359 = tpu.memref_squeeze %dma_start3A_358 : memref<1x128x32xf32, #tpu.memory_space<vmem>> -> memref<128x32xf32, #tpu.memory_space<vmem>>
        %dma_start3A_360 = arith.constant 0 : i32
        %dma_start3A_361 = tpu.memref_slice %arg5[%add3A_353, %dma_start3A_360] : memref<200x128xi32, #tpu.memory_space<vmem>> -> memref<1x128xi32, #tpu.memory_space<vmem>>
        %dma_start3A_362 = tpu.memref_squeeze %dma_start3A_361 : memref<1x128xi32, #tpu.memory_space<vmem>> -> memref<128xi32, #tpu.memory_space<vmem>>
        %dma_start3A_363 = arith.constant 0 : i32
        %dma_start3A_364 = arith.constant 0 : i32
        %dma_start3A_365 = tpu.memref_slice %arg3[%dma_start3A_363, %dma_start3A_364] : memref<1000000x32xf32, #tpu.memory_space<hbm>> -> memref<1000000x32xf32, #tpu.memory_space<hbm>>
        %dma_start3A_366 = tpu.memref_slice %arg8[%dma_start3A_355] : memref<4x!tpu.dma_semaphore, #tpu.memory_space<semaphore_mem>> -> memref<1x!tpu.dma_semaphore, #tpu.memory_space<semaphore_mem>>
        %dma_start3A_367 = tpu.memref_squeeze %dma_start3A_366 : memref<1x!tpu.dma_semaphore, #tpu.memory_space<semaphore_mem>> -> memref<!tpu.dma_semaphore, #tpu.memory_space<semaphore_mem>>
        tpu.enqueue_indirect_dma source(%dma_start3A_365 : memref<1000000x32xf32, #tpu.memory_space<hbm>>) target(%dma_start3A_359 : memref<128x32xf32, #tpu.memory_space<vmem>>) offsets(%dma_start3A_362 : memref<128xi32, #tpu.memory_space<vmem>>) semaphore(%dma_start3A_367 : memref<!tpu.dma_semaphore, #tpu.memory_space<semaphore_mem>>)
      } else {
      }
      %add3A_262 = arith.constant 2 : i32
      %add3A_263 = arith.addi %mul3A_109, %add3A_262 : i32
      %dma_start3A_264 = arith.constant 0 : i32
      %dma_start3A_265 = arith.constant 0 : i32
      %dma_start3A_266 = arith.constant 0 : i32
      %dma_start3A_267 = arith.constant 0 : i32
      %dma_start3A_268 = tpu.memref_slice %arg7[%dma_start3A_264, %dma_start3A_266, %dma_start3A_267] : memref<2x32x137xf32, #tpu.memory_space<vmem>> -> memref<1x32x128xf32, #tpu.memory_space<vmem>>
      %dma_start3A_269 = tpu.memref_squeeze %dma_start3A_268 : memref<1x32x128xf32, #tpu.memory_space<vmem>> -> memref<32x128xf32, #tpu.memory_space<vmem>>
      %dma_start3A_270 = arith.constant 0 : i32
      %dma_start3A_271 = tpu.memref_slice %arg4[%add3A_263, %dma_start3A_270, %mul3A_2] : memref<200x32x4096xf32, #tpu.memory_space<hbm>> -> memref<1x32x128xf32, #tpu.memory_space<hbm>>
      %dma_start3A_272 = tpu.memref_squeeze %dma_start3A_271 : memref<1x32x128xf32, #tpu.memory_space<hbm>> -> memref<32x128xf32, #tpu.memory_space<hbm>>
      %dma_start3A_273 = tpu.memref_slice %arg9[%dma_start3A_265] : memref<2x!tpu.dma_semaphore, #tpu.memory_space<semaphore_mem>> -> memref<1x!tpu.dma_semaphore, #tpu.memory_space<semaphore_mem>>
      %dma_start3A_274 = tpu.memref_squeeze %dma_start3A_273 : memref<1x!tpu.dma_semaphore, #tpu.memory_space<semaphore_mem>> -> memref<!tpu.dma_semaphore, #tpu.memory_space<semaphore_mem>>
      %dma_start3A_275 = arith.constant 0 : i32
      %dma_start3A_276 = tpu.memref_slice %arg4[%add3A_263, %dma_start3A_275, %mul3A_2] : memref<200x32x4096xf32, #tpu.memory_space<hbm>> -> memref<1x32x128xf32, #tpu.memory_space<hbm>>
      %dma_start3A_277 = tpu.memref_squeeze %dma_start3A_276 : memref<1x32x128xf32, #tpu.memory_space<hbm>> -> memref<32x128xf32, #tpu.memory_space<hbm>>
      %dma_start3A_278 = arith.constant 0 : i32
      %dma_start3A_279 = arith.constant 0 : i32
      %dma_start3A_280 = tpu.memref_slice %arg7[%dma_start3A_264, %dma_start3A_278, %dma_start3A_279] : memref<2x32x137xf32, #tpu.memory_space<vmem>> -> memref<1x32x128xf32, #tpu.memory_space<vmem>>
      %dma_start3A_281 = tpu.memref_squeeze %dma_start3A_280 : memref<1x32x128xf32, #tpu.memory_space<vmem>> -> memref<32x128xf32, #tpu.memory_space<vmem>>
      tpu.enqueue_dma source(%dma_start3A_281 : memref<32x128xf32, #tpu.memory_space<vmem>>) target(%dma_start3A_277 : memref<32x128xf32, #tpu.memory_space<hbm>>) target_semaphore(%dma_start3A_274 : memref<!tpu.dma_semaphore, #tpu.memory_space<semaphore_mem>>)
      %dma_wait3A_282 = arith.constant 3 : i32
      %dma_wait3A_283 = arith.constant 3 : i32
      %dma_wait3A_284 = arith.constant 0 : i32
      %dma_wait3A_285 = arith.constant 0 : i32
      %dma_wait3A_286 = tpu.memref_slice %arg6[%dma_wait3A_282, %dma_wait3A_284, %dma_wait3A_285] : memref<4x128x32xf32, #tpu.memory_space<vmem>> -> memref<1x128x32xf32, #tpu.memory_space<vmem>>
      %dma_wait3A_287 = tpu.memref_squeeze %dma_wait3A_286 : memref<1x128x32xf32, #tpu.memory_space<vmem>> -> memref<128x32xf32, #tpu.memory_space<vmem>>
      %dma_wait3A_288 = arith.constant 0 : i32
      %dma_wait3A_289 = arith.constant 0 : i32
      %dma_wait3A_290 = tpu.memref_slice %arg3[%dma_wait3A_288, %dma_wait3A_289] : memref<1000000x32xf32, #tpu.memory_space<hbm>> -> memref<128x32xf32, #tpu.memory_space<hbm>>
      %dma_wait3A_291 = tpu.memref_slice %arg8[%dma_wait3A_283] : memref<4x!tpu.dma_semaphore, #tpu.memory_space<semaphore_mem>> -> memref<1x!tpu.dma_semaphore, #tpu.memory_space<semaphore_mem>>
      %dma_wait3A_292 = tpu.memref_squeeze %dma_wait3A_291 : memref<1x!tpu.dma_semaphore, #tpu.memory_space<semaphore_mem>> -> memref<!tpu.dma_semaphore, #tpu.memory_space<semaphore_mem>>
      %dma_wait3A_293 = arith.constant 0 : i32
      %dma_wait3A_294 = arith.constant 0 : i32
      %dma_wait3A_295 = tpu.memref_slice %arg6[%dma_wait3A_282, %dma_wait3A_293, %dma_wait3A_294] : memref<4x128x32xf32, #tpu.memory_space<vmem>> -> memref<1x128x32xf32, #tpu.memory_space<vmem>>
      %dma_wait3A_296 = tpu.memref_squeeze %dma_wait3A_295 : memref<1x128x32xf32, #tpu.memory_space<vmem>> -> memref<128x32xf32, #tpu.memory_space<vmem>>
      %dma_wait3A_297 = arith.constant 0 : i32
      %dma_wait3A_298 = arith.constant 0 : i32
      %dma_wait3A_299 = tpu.memref_slice %arg3[%dma_wait3A_297, %dma_wait3A_298] : memref<1000000x32xf32, #tpu.memory_space<hbm>> -> memref<128x32xf32, #tpu.memory_space<hbm>>
      tpu.wait_dma2 semaphore(%dma_wait3A_292 : memref<!tpu.dma_semaphore, #tpu.memory_space<semaphore_mem>>) src(%dma_wait3A_299 : memref<128x32xf32, #tpu.memory_space<hbm>>) dst(%dma_wait3A_296 : memref<128x32xf32, #tpu.memory_space<vmem>>)
      %dma_wait3A_300 = arith.constant 1 : i32
      %dma_wait3A_301 = arith.constant 0 : i32
      %dma_wait3A_302 = arith.constant 1 : i32
      %dma_wait3A_303 = arith.constant 0 : i32
      %dma_wait3A_304 = arith.constant 0 : i32
      %dma_wait3A_305 = tpu.memref_slice %arg7[%dma_wait3A_300, %dma_wait3A_303, %dma_wait3A_304] : memref<2x32x137xf32, #tpu.memory_space<vmem>> -> memref<1x32x128xf32, #tpu.memory_space<vmem>>
      %dma_wait3A_306 = tpu.memref_squeeze %dma_wait3A_305 : memref<1x32x128xf32, #tpu.memory_space<vmem>> -> memref<32x128xf32, #tpu.memory_space<vmem>>
      %dma_wait3A_307 = arith.constant 0 : i32
      %dma_wait3A_308 = tpu.memref_slice %arg4[%dma_wait3A_301, %dma_wait3A_307, %mul3A_2] : memref<200x32x4096xf32, #tpu.memory_space<hbm>> -> memref<1x32x128xf32, #tpu.memory_space<hbm>>
      %dma_wait3A_309 = tpu.memref_squeeze %dma_wait3A_308 : memref<1x32x128xf32, #tpu.memory_space<hbm>> -> memref<32x128xf32, #tpu.memory_space<hbm>>
      %dma_wait3A_310 = tpu.memref_slice %arg9[%dma_wait3A_302] : memref<2x!tpu.dma_semaphore, #tpu.memory_space<semaphore_mem>> -> memref<1x!tpu.dma_semaphore, #tpu.memory_space<semaphore_mem>>
      %dma_wait3A_311 = tpu.memref_squeeze %dma_wait3A_310 : memref<1x!tpu.dma_semaphore, #tpu.memory_space<semaphore_mem>> -> memref<!tpu.dma_semaphore, #tpu.memory_space<semaphore_mem>>
      %dma_wait3A_312 = arith.constant 0 : i32
      %dma_wait3A_313 = tpu.memref_slice %arg4[%dma_wait3A_301, %dma_wait3A_312, %mul3A_2] : memref<200x32x4096xf32, #tpu.memory_space<hbm>> -> memref<1x32x128xf32, #tpu.memory_space<hbm>>
      %dma_wait3A_314 = tpu.memref_squeeze %dma_wait3A_313 : memref<1x32x128xf32, #tpu.memory_space<hbm>> -> memref<32x128xf32, #tpu.memory_space<hbm>>
      %dma_wait3A_315 = arith.constant 0 : i32
      %dma_wait3A_316 = arith.constant 0 : i32
      %dma_wait3A_317 = tpu.memref_slice %arg7[%dma_wait3A_300, %dma_wait3A_315, %dma_wait3A_316] : memref<2x32x137xf32, #tpu.memory_space<vmem>> -> memref<1x32x128xf32, #tpu.memory_space<vmem>>
      %dma_wait3A_318 = tpu.memref_squeeze %dma_wait3A_317 : memref<1x32x128xf32, #tpu.memory_space<vmem>> -> memref<32x128xf32, #tpu.memory_space<vmem>>
      tpu.wait_dma2 semaphore(%dma_wait3A_311 : memref<!tpu.dma_semaphore, #tpu.memory_space<semaphore_mem>>) src(%dma_wait3A_318 : memref<32x128xf32, #tpu.memory_space<vmem>>) dst(%dma_wait3A_314 : memref<32x128xf32, #tpu.memory_space<hbm>>)
      %scan3A_319 = arith.constant 0 : i32
      %scan3A_320 = arith.constant 0 : i32
      %scan3A_321 = arith.constant 128 : i32
      %scan3A_322 = arith.addi %scan3A_320, %scan3A_321 : i32
      %scan3A_323 = arith.constant 8 : i32
      scf.for %scan3A_350 = %scan3A_320 to %scan3A_322 step %scan3A_323  : i32 {
        %broadcast_in_dim3A = vector.broadcast %scan3A_350 : i32 to vector<16xi32>
        %get3A = arith.constant 3 : i32
        %get3A_351 = arith.index_cast %get3A : i32 to index
        %get3A_352 = arith.index_cast %scan3A_350 : i32 to index
        %get3A_353 = arith.constant 0 : index
        %get3A_354 = tpu.vector_load %arg6[%get3A_351, %get3A_352, %get3A_353] {strides = array<i32>} : memref<4x128x32xf32, #tpu.memory_space<vmem>>, vector<16xf32>,
        %get3A_355 = arith.constant 3 : i32
        %get3A_356 = arith.index_cast %get3A_355 : i32 to index
        %get3A_357 = arith.index_cast %scan3A_350 : i32 to index
        %get3A_358 = arith.constant 16 : index
        %get3A_359 = tpu.vector_load %arg6[%get3A_356, %get3A_357, %get3A_358] {strides = array<i32>} : memref<4x128x32xf32, #tpu.memory_space<vmem>>, vector<16xf32>,
        %scatter3A = arith.constant 1 : i32
        %scatter3A_360 = arith.constant 0 : i32
        %scatter3A_361 = arith.constant 0 : i32
        %scatter3A_362 = tpu.memref_slice %arg7[%scatter3A, %scatter3A_360, %scatter3A_361] : memref<2x32x137xf32, #tpu.memory_space<vmem>> -> memref<1x32x137xf32, #tpu.memory_space<vmem>>
        %scatter3A_363 = tpu.memref_squeeze %scatter3A_362 : memref<1x32x137xf32, #tpu.memory_space<vmem>> -> memref<32x137xf32, #tpu.memory_space<vmem>>
        tpu.vector_store_idx %scatter3A_363[%iota3A, %broadcast_in_dim3A], %get3A_354 : memref<32x137xf32, #tpu.memory_space<vmem>>[vector<16xi32>, vector<16xi32>], vector<16xf32>,
        %scatter3A_364 = arith.constant 1 : i32
        %scatter3A_365 = arith.constant 0 : i32
        %scatter3A_366 = arith.constant 0 : i32
        %scatter3A_367 = tpu.memref_slice %arg7[%scatter3A_364, %scatter3A_365, %scatter3A_366] : memref<2x32x137xf32, #tpu.memory_space<vmem>> -> memref<1x32x137xf32, #tpu.memory_space<vmem>>
        %scatter3A_368 = tpu.memref_squeeze %scatter3A_367 : memref<1x32x137xf32, #tpu.memory_space<vmem>> -> memref<32x137xf32, #tpu.memory_space<vmem>>
        tpu.vector_store_idx %scatter3A_368[%add3A_5, %broadcast_in_dim3A], %get3A_359 : memref<32x137xf32, #tpu.memory_space<vmem>>[vector<16xi32>, vector<16xi32>], vector<16xf32>,
        %scan3A_369 = arith.constant 1 : i32
        %scan3A_370 = arith.addi %scan3A_350, %scan3A_369 : i32
        %broadcast_in_dim3A_371 = vector.broadcast %scan3A_370 : i32 to vector<16xi32>
        %get3A_372 = arith.constant 3 : i32
        %get3A_373 = arith.index_cast %get3A_372 : i32 to index
        %get3A_374 = arith.index_cast %scan3A_370 : i32 to index
        %get3A_375 = arith.constant 0 : index
        %get3A_376 = tpu.vector_load %arg6[%get3A_373, %get3A_374, %get3A_375] {strides = array<i32>} : memref<4x128x32xf32, #tpu.memory_space<vmem>>, vector<16xf32>,
        %get3A_377 = arith.constant 3 : i32
        %get3A_378 = arith.index_cast %get3A_377 : i32 to index
        %get3A_379 = arith.index_cast %scan3A_370 : i32 to index
        %get3A_380 = arith.constant 16 : index
        %get3A_381 = tpu.vector_load %arg6[%get3A_378, %get3A_379, %get3A_380] {strides = array<i32>} : memref<4x128x32xf32, #tpu.memory_space<vmem>>, vector<16xf32>,
        %scatter3A_382 = arith.constant 1 : i32
        %scatter3A_383 = arith.constant 0 : i32
        %scatter3A_384 = arith.constant 0 : i32
        %scatter3A_385 = tpu.memref_slice %arg7[%scatter3A_382, %scatter3A_383, %scatter3A_384] : memref<2x32x137xf32, #tpu.memory_space<vmem>> -> memref<1x32x137xf32, #tpu.memory_space<vmem>>
        %scatter3A_386 = tpu.memref_squeeze %scatter3A_385 : memref<1x32x137xf32, #tpu.memory_space<vmem>> -> memref<32x137xf32, #tpu.memory_space<vmem>>
        tpu.vector_store_idx %scatter3A_386[%iota3A, %broadcast_in_dim3A_371], %get3A_376 : memref<32x137xf32, #tpu.memory_space<vmem>>[vector<16xi32>, vector<16xi32>], vector<16xf32>,
        %scatter3A_387 = arith.constant 1 : i32
        %scatter3A_388 = arith.constant 0 : i32
        %scatter3A_389 = arith.constant 0 : i32
        %scatter3A_390 = tpu.memref_slice %arg7[%scatter3A_387, %scatter3A_388, %scatter3A_389] : memref<2x32x137xf32, #tpu.memory_space<vmem>> -> memref<1x32x137xf32, #tpu.memory_space<vmem>>
        %scatter3A_391 = tpu.memref_squeeze %scatter3A_390 : memref<1x32x137xf32, #tpu.memory_space<vmem>> -> memref<32x137xf32, #tpu.memory_space<vmem>>
        tpu.vector_store_idx %scatter3A_391[%add3A_5, %broadcast_in_dim3A_371], %get3A_381 : memref<32x137xf32, #tpu.memory_space<vmem>>[vector<16xi32>, vector<16xi32>], vector<16xf32>,
        %scan3A_392 = arith.constant 2 : i32
        %scan3A_393 = arith.addi %scan3A_350, %scan3A_392 : i32
        %broadcast_in_dim3A_394 = vector.broadcast %scan3A_393 : i32 to vector<16xi32>
        %get3A_395 = arith.constant 3 : i32
        %get3A_396 = arith.index_cast %get3A_395 : i32 to index
        %get3A_397 = arith.index_cast %scan3A_393 : i32 to index
        %get3A_398 = arith.constant 0 : index
        %get3A_399 = tpu.vector_load %arg6[%get3A_396, %get3A_397, %get3A_398] {strides = array<i32>} : memref<4x128x32xf32, #tpu.memory_space<vmem>>, vector<16xf32>,
        %get3A_400 = arith.constant 3 : i32
        %get3A_401 = arith.index_cast %get3A_400 : i32 to index
        %get3A_402 = arith.index_cast %scan3A_393 : i32 to index
        %get3A_403 = arith.constant 16 : index
        %get3A_404 = tpu.vector_load %arg6[%get3A_401, %get3A_402, %get3A_403] {strides = array<i32>} : memref<4x128x32xf32, #tpu.memory_space<vmem>>, vector<16xf32>,
        %scatter3A_405 = arith.constant 1 : i32
        %scatter3A_406 = arith.constant 0 : i32
        %scatter3A_407 = arith.constant 0 : i32
        %scatter3A_408 = tpu.memref_slice %arg7[%scatter3A_405, %scatter3A_406, %scatter3A_407] : memref<2x32x137xf32, #tpu.memory_space<vmem>> -> memref<1x32x137xf32, #tpu.memory_space<vmem>>
        %scatter3A_409 = tpu.memref_squeeze %scatter3A_408 : memref<1x32x137xf32, #tpu.memory_space<vmem>> -> memref<32x137xf32, #tpu.memory_space<vmem>>
        tpu.vector_store_idx %scatter3A_409[%iota3A, %broadcast_in_dim3A_394], %get3A_399 : memref<32x137xf32, #tpu.memory_space<vmem>>[vector<16xi32>, vector<16xi32>], vector<16xf32>,
        %scatter3A_410 = arith.constant 1 : i32
        %scatter3A_411 = arith.constant 0 : i32
        %scatter3A_412 = arith.constant 0 : i32
        %scatter3A_413 = tpu.memref_slice %arg7[%scatter3A_410, %scatter3A_411, %scatter3A_412] : memref<2x32x137xf32, #tpu.memory_space<vmem>> -> memref<1x32x137xf32, #tpu.memory_space<vmem>>
        %scatter3A_414 = tpu.memref_squeeze %scatter3A_413 : memref<1x32x137xf32, #tpu.memory_space<vmem>> -> memref<32x137xf32, #tpu.memory_space<vmem>>
        tpu.vector_store_idx %scatter3A_414[%add3A_5, %broadcast_in_dim3A_394], %get3A_404 : memref<32x137xf32, #tpu.memory_space<vmem>>[vector<16xi32>, vector<16xi32>], vector<16xf32>,
        %scan3A_415 = arith.constant 3 : i32
        %scan3A_416 = arith.addi %scan3A_350, %scan3A_415 : i32
        %broadcast_in_dim3A_417 = vector.broadcast %scan3A_416 : i32 to vector<16xi32>
        %get3A_418 = arith.constant 3 : i32
        %get3A_419 = arith.index_cast %get3A_418 : i32 to index
        %get3A_420 = arith.index_cast %scan3A_416 : i32 to index
        %get3A_421 = arith.constant 0 : index
        %get3A_422 = tpu.vector_load %arg6[%get3A_419, %get3A_420, %get3A_421] {strides = array<i32>} : memref<4x128x32xf32, #tpu.memory_space<vmem>>, vector<16xf32>,
        %get3A_423 = arith.constant 3 : i32
        %get3A_424 = arith.index_cast %get3A_423 : i32 to index
        %get3A_425 = arith.index_cast %scan3A_416 : i32 to index
        %get3A_426 = arith.constant 16 : index
        %get3A_427 = tpu.vector_load %arg6[%get3A_424, %get3A_425, %get3A_426] {strides = array<i32>} : memref<4x128x32xf32, #tpu.memory_space<vmem>>, vector<16xf32>,
        %scatter3A_428 = arith.constant 1 : i32
        %scatter3A_429 = arith.constant 0 : i32
        %scatter3A_430 = arith.constant 0 : i32
        %scatter3A_431 = tpu.memref_slice %arg7[%scatter3A_428, %scatter3A_429, %scatter3A_430] : memref<2x32x137xf32, #tpu.memory_space<vmem>> -> memref<1x32x137xf32, #tpu.memory_space<vmem>>
        %scatter3A_432 = tpu.memref_squeeze %scatter3A_431 : memref<1x32x137xf32, #tpu.memory_space<vmem>> -> memref<32x137xf32, #tpu.memory_space<vmem>>
        tpu.vector_store_idx %scatter3A_432[%iota3A, %broadcast_in_dim3A_417], %get3A_422 : memref<32x137xf32, #tpu.memory_space<vmem>>[vector<16xi32>, vector<16xi32>], vector<16xf32>,
        %scatter3A_433 = arith.constant 1 : i32
        %scatter3A_434 = arith.constant 0 : i32
        %scatter3A_435 = arith.constant 0 : i32
        %scatter3A_436 = tpu.memref_slice %arg7[%scatter3A_433, %scatter3A_434, %scatter3A_435] : memref<2x32x137xf32, #tpu.memory_space<vmem>> -> memref<1x32x137xf32, #tpu.memory_space<vmem>>
        %scatter3A_437 = tpu.memref_squeeze %scatter3A_436 : memref<1x32x137xf32, #tpu.memory_space<vmem>> -> memref<32x137xf32, #tpu.memory_space<vmem>>
        tpu.vector_store_idx %scatter3A_437[%add3A_5, %broadcast_in_dim3A_417], %get3A_427 : memref<32x137xf32, #tpu.memory_space<vmem>>[vector<16xi32>, vector<16xi32>], vector<16xf32>,
        %scan3A_438 = arith.constant 4 : i32
        %scan3A_439 = arith.addi %scan3A_350, %scan3A_438 : i32
        %broadcast_in_dim3A_440 = vector.broadcast %scan3A_439 : i32 to vector<16xi32>
        %get3A_441 = arith.constant 3 : i32
        %get3A_442 = arith.index_cast %get3A_441 : i32 to index
        %get3A_443 = arith.index_cast %scan3A_439 : i32 to index
        %get3A_444 = arith.constant 0 : index
        %get3A_445 = tpu.vector_load %arg6[%get3A_442, %get3A_443, %get3A_444] {strides = array<i32>} : memref<4x128x32xf32, #tpu.memory_space<vmem>>, vector<16xf32>,
        %get3A_446 = arith.constant 3 : i32
        %get3A_447 = arith.index_cast %get3A_446 : i32 to index
        %get3A_448 = arith.index_cast %scan3A_439 : i32 to index
        %get3A_449 = arith.constant 16 : index
        %get3A_450 = tpu.vector_load %arg6[%get3A_447, %get3A_448, %get3A_449] {strides = array<i32>} : memref<4x128x32xf32, #tpu.memory_space<vmem>>, vector<16xf32>,
        %scatter3A_451 = arith.constant 1 : i32
        %scatter3A_452 = arith.constant 0 : i32
        %scatter3A_453 = arith.constant 0 : i32
        %scatter3A_454 = tpu.memref_slice %arg7[%scatter3A_451, %scatter3A_452, %scatter3A_453] : memref<2x32x137xf32, #tpu.memory_space<vmem>> -> memref<1x32x137xf32, #tpu.memory_space<vmem>>
        %scatter3A_455 = tpu.memref_squeeze %scatter3A_454 : memref<1x32x137xf32, #tpu.memory_space<vmem>> -> memref<32x137xf32, #tpu.memory_space<vmem>>
        tpu.vector_store_idx %scatter3A_455[%iota3A, %broadcast_in_dim3A_440], %get3A_445 : memref<32x137xf32, #tpu.memory_space<vmem>>[vector<16xi32>, vector<16xi32>], vector<16xf32>,
        %scatter3A_456 = arith.constant 1 : i32
        %scatter3A_457 = arith.constant 0 : i32
        %scatter3A_458 = arith.constant 0 : i32
        %scatter3A_459 = tpu.memref_slice %arg7[%scatter3A_456, %scatter3A_457, %scatter3A_458] : memref<2x32x137xf32, #tpu.memory_space<vmem>> -> memref<1x32x137xf32, #tpu.memory_space<vmem>>
        %scatter3A_460 = tpu.memref_squeeze %scatter3A_459 : memref<1x32x137xf32, #tpu.memory_space<vmem>> -> memref<32x137xf32, #tpu.memory_space<vmem>>
        tpu.vector_store_idx %scatter3A_460[%add3A_5, %broadcast_in_dim3A_440], %get3A_450 : memref<32x137xf32, #tpu.memory_space<vmem>>[vector<16xi32>, vector<16xi32>], vector<16xf32>,
        %scan3A_461 = arith.constant 5 : i32
        %scan3A_462 = arith.addi %scan3A_350, %scan3A_461 : i32
        %broadcast_in_dim3A_463 = vector.broadcast %scan3A_462 : i32 to vector<16xi32>
        %get3A_464 = arith.constant 3 : i32
        %get3A_465 = arith.index_cast %get3A_464 : i32 to index
        %get3A_466 = arith.index_cast %scan3A_462 : i32 to index
        %get3A_467 = arith.constant 0 : index
        %get3A_468 = tpu.vector_load %arg6[%get3A_465, %get3A_466, %get3A_467] {strides = array<i32>} : memref<4x128x32xf32, #tpu.memory_space<vmem>>, vector<16xf32>,
        %get3A_469 = arith.constant 3 : i32
        %get3A_470 = arith.index_cast %get3A_469 : i32 to index
        %get3A_471 = arith.index_cast %scan3A_462 : i32 to index
        %get3A_472 = arith.constant 16 : index
        %get3A_473 = tpu.vector_load %arg6[%get3A_470, %get3A_471, %get3A_472] {strides = array<i32>} : memref<4x128x32xf32, #tpu.memory_space<vmem>>, vector<16xf32>,
        %scatter3A_474 = arith.constant 1 : i32
        %scatter3A_475 = arith.constant 0 : i32
        %scatter3A_476 = arith.constant 0 : i32
        %scatter3A_477 = tpu.memref_slice %arg7[%scatter3A_474, %scatter3A_475, %scatter3A_476] : memref<2x32x137xf32, #tpu.memory_space<vmem>> -> memref<1x32x137xf32, #tpu.memory_space<vmem>>
        %scatter3A_478 = tpu.memref_squeeze %scatter3A_477 : memref<1x32x137xf32, #tpu.memory_space<vmem>> -> memref<32x137xf32, #tpu.memory_space<vmem>>
        tpu.vector_store_idx %scatter3A_478[%iota3A, %broadcast_in_dim3A_463], %get3A_468 : memref<32x137xf32, #tpu.memory_space<vmem>>[vector<16xi32>, vector<16xi32>], vector<16xf32>,
        %scatter3A_479 = arith.constant 1 : i32
        %scatter3A_480 = arith.constant 0 : i32
        %scatter3A_481 = arith.constant 0 : i32
        %scatter3A_482 = tpu.memref_slice %arg7[%scatter3A_479, %scatter3A_480, %scatter3A_481] : memref<2x32x137xf32, #tpu.memory_space<vmem>> -> memref<1x32x137xf32, #tpu.memory_space<vmem>>
        %scatter3A_483 = tpu.memref_squeeze %scatter3A_482 : memref<1x32x137xf32, #tpu.memory_space<vmem>> -> memref<32x137xf32, #tpu.memory_space<vmem>>
        tpu.vector_store_idx %scatter3A_483[%add3A_5, %broadcast_in_dim3A_463], %get3A_473 : memref<32x137xf32, #tpu.memory_space<vmem>>[vector<16xi32>, vector<16xi32>], vector<16xf32>,
        %scan3A_484 = arith.constant 6 : i32
        %scan3A_485 = arith.addi %scan3A_350, %scan3A_484 : i32
        %broadcast_in_dim3A_486 = vector.broadcast %scan3A_485 : i32 to vector<16xi32>
        %get3A_487 = arith.constant 3 : i32
        %get3A_488 = arith.index_cast %get3A_487 : i32 to index
        %get3A_489 = arith.index_cast %scan3A_485 : i32 to index
        %get3A_490 = arith.constant 0 : index
        %get3A_491 = tpu.vector_load %arg6[%get3A_488, %get3A_489, %get3A_490] {strides = array<i32>} : memref<4x128x32xf32, #tpu.memory_space<vmem>>, vector<16xf32>,
        %get3A_492 = arith.constant 3 : i32
        %get3A_493 = arith.index_cast %get3A_492 : i32 to index
        %get3A_494 = arith.index_cast %scan3A_485 : i32 to index
        %get3A_495 = arith.constant 16 : index
        %get3A_496 = tpu.vector_load %arg6[%get3A_493, %get3A_494, %get3A_495] {strides = array<i32>} : memref<4x128x32xf32, #tpu.memory_space<vmem>>, vector<16xf32>,
        %scatter3A_497 = arith.constant 1 : i32
        %scatter3A_498 = arith.constant 0 : i32
        %scatter3A_499 = arith.constant 0 : i32
        %scatter3A_500 = tpu.memref_slice %arg7[%scatter3A_497, %scatter3A_498, %scatter3A_499] : memref<2x32x137xf32, #tpu.memory_space<vmem>> -> memref<1x32x137xf32, #tpu.memory_space<vmem>>
        %scatter3A_501 = tpu.memref_squeeze %scatter3A_500 : memref<1x32x137xf32, #tpu.memory_space<vmem>> -> memref<32x137xf32, #tpu.memory_space<vmem>>
        tpu.vector_store_idx %scatter3A_501[%iota3A, %broadcast_in_dim3A_486], %get3A_491 : memref<32x137xf32, #tpu.memory_space<vmem>>[vector<16xi32>, vector<16xi32>], vector<16xf32>,
        %scatter3A_502 = arith.constant 1 : i32
        %scatter3A_503 = arith.constant 0 : i32
        %scatter3A_504 = arith.constant 0 : i32
        %scatter3A_505 = tpu.memref_slice %arg7[%scatter3A_502, %scatter3A_503, %scatter3A_504] : memref<2x32x137xf32, #tpu.memory_space<vmem>> -> memref<1x32x137xf32, #tpu.memory_space<vmem>>
        %scatter3A_506 = tpu.memref_squeeze %scatter3A_505 : memref<1x32x137xf32, #tpu.memory_space<vmem>> -> memref<32x137xf32, #tpu.memory_space<vmem>>
        tpu.vector_store_idx %scatter3A_506[%add3A_5, %broadcast_in_dim3A_486], %get3A_496 : memref<32x137xf32, #tpu.memory_space<vmem>>[vector<16xi32>, vector<16xi32>], vector<16xf32>,
        %scan3A_507 = arith.constant 7 : i32
        %scan3A_508 = arith.addi %scan3A_350, %scan3A_507 : i32
        %broadcast_in_dim3A_509 = vector.broadcast %scan3A_508 : i32 to vector<16xi32>
        %get3A_510 = arith.constant 3 : i32
        %get3A_511 = arith.index_cast %get3A_510 : i32 to index
        %get3A_512 = arith.index_cast %scan3A_508 : i32 to index
        %get3A_513 = arith.constant 0 : index
        %get3A_514 = tpu.vector_load %arg6[%get3A_511, %get3A_512, %get3A_513] {strides = array<i32>} : memref<4x128x32xf32, #tpu.memory_space<vmem>>, vector<16xf32>,
        %get3A_515 = arith.constant 3 : i32
        %get3A_516 = arith.index_cast %get3A_515 : i32 to index
        %get3A_517 = arith.index_cast %scan3A_508 : i32 to index
        %get3A_518 = arith.constant 16 : index
        %get3A_519 = tpu.vector_load %arg6[%get3A_516, %get3A_517, %get3A_518] {strides = array<i32>} : memref<4x128x32xf32, #tpu.memory_space<vmem>>, vector<16xf32>,
        %scatter3A_520 = arith.constant 1 : i32
        %scatter3A_521 = arith.constant 0 : i32
        %scatter3A_522 = arith.constant 0 : i32
        %scatter3A_523 = tpu.memref_slice %arg7[%scatter3A_520, %scatter3A_521, %scatter3A_522] : memref<2x32x137xf32, #tpu.memory_space<vmem>> -> memref<1x32x137xf32, #tpu.memory_space<vmem>>
        %scatter3A_524 = tpu.memref_squeeze %scatter3A_523 : memref<1x32x137xf32, #tpu.memory_space<vmem>> -> memref<32x137xf32, #tpu.memory_space<vmem>>
        tpu.vector_store_idx %scatter3A_524[%iota3A, %broadcast_in_dim3A_509], %get3A_514 : memref<32x137xf32, #tpu.memory_space<vmem>>[vector<16xi32>, vector<16xi32>], vector<16xf32>,
        %scatter3A_525 = arith.constant 1 : i32
        %scatter3A_526 = arith.constant 0 : i32
        %scatter3A_527 = arith.constant 0 : i32
        %scatter3A_528 = tpu.memref_slice %arg7[%scatter3A_525, %scatter3A_526, %scatter3A_527] : memref<2x32x137xf32, #tpu.memory_space<vmem>> -> memref<1x32x137xf32, #tpu.memory_space<vmem>>
        %scatter3A_529 = tpu.memref_squeeze %scatter3A_528 : memref<1x32x137xf32, #tpu.memory_space<vmem>> -> memref<32x137xf32, #tpu.memory_space<vmem>>
        tpu.vector_store_idx %scatter3A_529[%add3A_5, %broadcast_in_dim3A_509], %get3A_519 : memref<32x137xf32, #tpu.memory_space<vmem>>[vector<16xi32>, vector<16xi32>], vector<16xf32>,
      }
      %scan3A_324 = arith.constant 128 : i32
      %lt3A_325 = arith.constant 49 : i32
      %lt3A_326 = arith.cmpi slt, %scan3A_107, %lt3A_325 : i32
      %convert_element_type3A_327 = arith.extui %lt3A_326 : i1 to i32
      %cond3A_328 = arith.constant 0 : i32
      %cond3A_329 = arith.cmpi ne, %convert_element_type3A_327, %cond3A_328 : i32
      scf.if %cond3A_329 {
        %add3A_350 = arith.constant 4 : i32
        %add3A_351 = arith.addi %mul3A_109, %add3A_350 : i32
        %add3A_352 = arith.constant 3 : i32
        %add3A_353 = arith.addi %add3A_351, %add3A_352 : i32
        %dma_start3A_354 = arith.constant 3 : i32
        %dma_start3A_355 = arith.constant 3 : i32
        %dma_start3A_356 = arith.constant 0 : i32
        %dma_start3A_357 = arith.constant 0 : i32
        %dma_start3A_358 = tpu.memref_slice %arg6[%dma_start3A_354, %dma_start3A_356, %dma_start3A_357] : memref<4x128x32xf32, #tpu.memory_space<vmem>> -> memref<1x128x32xf32, #tpu.memory_space<vmem>>
        %dma_start3A_359 = tpu.memref_squeeze %dma_start3A_358 : memref<1x128x32xf32, #tpu.memory_space<vmem>> -> memref<128x32xf32, #tpu.memory_space<vmem>>
        %dma_start3A_360 = arith.constant 0 : i32
        %dma_start3A_361 = tpu.memref_slice %arg5[%add3A_353, %dma_start3A_360] : memref<200x128xi32, #tpu.memory_space<vmem>> -> memref<1x128xi32, #tpu.memory_space<vmem>>
        %dma_start3A_362 = tpu.memref_squeeze %dma_start3A_361 : memref<1x128xi32, #tpu.memory_space<vmem>> -> memref<128xi32, #tpu.memory_space<vmem>>
        %dma_start3A_363 = arith.constant 0 : i32
        %dma_start3A_364 = arith.constant 0 : i32
        %dma_start3A_365 = tpu.memref_slice %arg3[%dma_start3A_363, %dma_start3A_364] : memref<1000000x32xf32, #tpu.memory_space<hbm>> -> memref<1000000x32xf32, #tpu.memory_space<hbm>>
        %dma_start3A_366 = tpu.memref_slice %arg8[%dma_start3A_355] : memref<4x!tpu.dma_semaphore, #tpu.memory_space<semaphore_mem>> -> memref<1x!tpu.dma_semaphore, #tpu.memory_space<semaphore_mem>>
        %dma_start3A_367 = tpu.memref_squeeze %dma_start3A_366 : memref<1x!tpu.dma_semaphore, #tpu.memory_space<semaphore_mem>> -> memref<!tpu.dma_semaphore, #tpu.memory_space<semaphore_mem>>
        tpu.enqueue_indirect_dma source(%dma_start3A_365 : memref<1000000x32xf32, #tpu.memory_space<hbm>>) target(%dma_start3A_359 : memref<128x32xf32, #tpu.memory_space<vmem>>) offsets(%dma_start3A_362 : memref<128xi32, #tpu.memory_space<vmem>>) semaphore(%dma_start3A_367 : memref<!tpu.dma_semaphore, #tpu.memory_space<semaphore_mem>>)
      } else {
      }
      %add3A_330 = arith.constant 3 : i32
      %add3A_331 = arith.addi %mul3A_109, %add3A_330 : i32
      %dma_start3A_332 = arith.constant 1 : i32
      %dma_start3A_333 = arith.constant 1 : i32
      %dma_start3A_334 = arith.constant 0 : i32
      %dma_start3A_335 = arith.constant 0 : i32
      %dma_start3A_336 = tpu.memref_slice %arg7[%dma_start3A_332, %dma_start3A_334, %dma_start3A_335] : memref<2x32x137xf32, #tpu.memory_space<vmem>> -> memref<1x32x128xf32, #tpu.memory_space<vmem>>
      %dma_start3A_337 = tpu.memref_squeeze %dma_start3A_336 : memref<1x32x128xf32, #tpu.memory_space<vmem>> -> memref<32x128xf32, #tpu.memory_space<vmem>>
      %dma_start3A_338 = arith.constant 0 : i32
      %dma_start3A_339 = tpu.memref_slice %arg4[%add3A_331, %dma_start3A_338, %mul3A_2] : memref<200x32x4096xf32, #tpu.memory_space<hbm>> -> memref<1x32x128xf32, #tpu.memory_space<hbm>>
      %dma_start3A_340 = tpu.memref_squeeze %dma_start3A_339 : memref<1x32x128xf32, #tpu.memory_space<hbm>> -> memref<32x128xf32, #tpu.memory_space<hbm>>
      %dma_start3A_341 = tpu.memref_slice %arg9[%dma_start3A_333] : memref<2x!tpu.dma_semaphore, #tpu.memory_space<semaphore_mem>> -> memref<1x!tpu.dma_semaphore, #tpu.memory_space<semaphore_mem>>
      %dma_start3A_342 = tpu.memref_squeeze %dma_start3A_341 : memref<1x!tpu.dma_semaphore, #tpu.memory_space<semaphore_mem>> -> memref<!tpu.dma_semaphore, #tpu.memory_space<semaphore_mem>>
      %dma_start3A_343 = arith.constant 0 : i32
      %dma_start3A_344 = tpu.memref_slice %arg4[%add3A_331, %dma_start3A_343, %mul3A_2] : memref<200x32x4096xf32, #tpu.memory_space<hbm>> -> memref<1x32x128xf32, #tpu.memory_space<hbm>>
      %dma_start3A_345 = tpu.memref_squeeze %dma_start3A_344 : memref<1x32x128xf32, #tpu.memory_space<hbm>> -> memref<32x128xf32, #tpu.memory_space<hbm>>
      %dma_start3A_346 = arith.constant 0 : i32
      %dma_start3A_347 = arith.constant 0 : i32
      %dma_start3A_348 = tpu.memref_slice %arg7[%dma_start3A_332, %dma_start3A_346, %dma_start3A_347] : memref<2x32x137xf32, #tpu.memory_space<vmem>> -> memref<1x32x128xf32, #tpu.memory_space<vmem>>
      %dma_start3A_349 = tpu.memref_squeeze %dma_start3A_348 : memref<1x32x128xf32, #tpu.memory_space<vmem>> -> memref<32x128xf32, #tpu.memory_space<vmem>>
      tpu.enqueue_dma source(%dma_start3A_349 : memref<32x128xf32, #tpu.memory_space<vmem>>) target(%dma_start3A_345 : memref<32x128xf32, #tpu.memory_space<hbm>>) target_semaphore(%dma_start3A_342 : memref<!tpu.dma_semaphore, #tpu.memory_space<semaphore_mem>>)
    }
    %scan3A_69 = arith.constant 50 : i32
    %dma_wait3A = arith.constant 0 : i32
    %dma_wait3A_70 = arith.constant 0 : i32
    %dma_wait3A_71 = arith.constant 0 : i32
    %dma_wait3A_72 = arith.constant 0 : i32
    %dma_wait3A_73 = arith.constant 0 : i32
    %dma_wait3A_74 = tpu.memref_slice %arg7[%dma_wait3A, %dma_wait3A_72, %dma_wait3A_73] : memref<2x32x137xf32, #tpu.memory_space<vmem>> -> memref<1x32x128xf32, #tpu.memory_space<vmem>>
    %dma_wait3A_75 = tpu.memref_squeeze %dma_wait3A_74 : memref<1x32x128xf32, #tpu.memory_space<vmem>> -> memref<32x128xf32, #tpu.memory_space<vmem>>
    %dma_wait3A_76 = arith.constant 0 : i32
    %dma_wait3A_77 = tpu.memref_slice %arg4[%dma_wait3A_70, %dma_wait3A_76, %mul3A_2] : memref<200x32x4096xf32, #tpu.memory_space<hbm>> -> memref<1x32x128xf32, #tpu.memory_space<hbm>>
    %dma_wait3A_78 = tpu.memref_squeeze %dma_wait3A_77 : memref<1x32x128xf32, #tpu.memory_space<hbm>> -> memref<32x128xf32, #tpu.memory_space<hbm>>
    %dma_wait3A_79 = tpu.memref_slice %arg9[%dma_wait3A_71] : memref<2x!tpu.dma_semaphore, #tpu.memory_space<semaphore_mem>> -> memref<1x!tpu.dma_semaphore, #tpu.memory_space<semaphore_mem>>
    %dma_wait3A_80 = tpu.memref_squeeze %dma_wait3A_79 : memref<1x!tpu.dma_semaphore, #tpu.memory_space<semaphore_mem>> -> memref<!tpu.dma_semaphore, #tpu.memory_space<semaphore_mem>>
    %dma_wait3A_81 = arith.constant 0 : i32
    %dma_wait3A_82 = tpu.memref_slice %arg4[%dma_wait3A_70, %dma_wait3A_81, %mul3A_2] : memref<200x32x4096xf32, #tpu.memory_space<hbm>> -> memref<1x32x128xf32, #tpu.memory_space<hbm>>
    %dma_wait3A_83 = tpu.memref_squeeze %dma_wait3A_82 : memref<1x32x128xf32, #tpu.memory_space<hbm>> -> memref<32x128xf32, #tpu.memory_space<hbm>>
    %dma_wait3A_84 = arith.constant 0 : i32
    %dma_wait3A_85 = arith.constant 0 : i32
    %dma_wait3A_86 = tpu.memref_slice %arg7[%dma_wait3A, %dma_wait3A_84, %dma_wait3A_85] : memref<2x32x137xf32, #tpu.memory_space<vmem>> -> memref<1x32x128xf32, #tpu.memory_space<vmem>>
    %dma_wait3A_87 = tpu.memref_squeeze %dma_wait3A_86 : memref<1x32x128xf32, #tpu.memory_space<vmem>> -> memref<32x128xf32, #tpu.memory_space<vmem>>
    tpu.wait_dma2 semaphore(%dma_wait3A_80 : memref<!tpu.dma_semaphore, #tpu.memory_space<semaphore_mem>>) src(%dma_wait3A_87 : memref<32x128xf32, #tpu.memory_space<vmem>>) dst(%dma_wait3A_83 : memref<32x128xf32, #tpu.memory_space<hbm>>)
    %dma_wait3A_88 = arith.constant 1 : i32
    %dma_wait3A_89 = arith.constant 0 : i32
    %dma_wait3A_90 = arith.constant 1 : i32
    %dma_wait3A_91 = arith.constant 0 : i32
    %dma_wait3A_92 = arith.constant 0 : i32
    %dma_wait3A_93 = tpu.memref_slice %arg7[%dma_wait3A_88, %dma_wait3A_91, %dma_wait3A_92] : memref<2x32x137xf32, #tpu.memory_space<vmem>> -> memref<1x32x128xf32, #tpu.memory_space<vmem>>
    %dma_wait3A_94 = tpu.memref_squeeze %dma_wait3A_93 : memref<1x32x128xf32, #tpu.memory_space<vmem>> -> memref<32x128xf32, #tpu.memory_space<vmem>>
    %dma_wait3A_95 = arith.constant 0 : i32
    %dma_wait3A_96 = tpu.memref_slice %arg4[%dma_wait3A_89, %dma_wait3A_95, %mul3A_2] : memref<200x32x4096xf32, #tpu.memory_space<hbm>> -> memref<1x32x128xf32, #tpu.memory_space<hbm>>
    %dma_wait3A_97 = tpu.memref_squeeze %dma_wait3A_96 : memref<1x32x128xf32, #tpu.memory_space<hbm>> -> memref<32x128xf32, #tpu.memory_space<hbm>>
    %dma_wait3A_98 = tpu.memref_slice %arg9[%dma_wait3A_90] : memref<2x!tpu.dma_semaphore, #tpu.memory_space<semaphore_mem>> -> memref<1x!tpu.dma_semaphore, #tpu.memory_space<semaphore_mem>>
    %dma_wait3A_99 = tpu.memref_squeeze %dma_wait3A_98 : memref<1x!tpu.dma_semaphore, #tpu.memory_space<semaphore_mem>> -> memref<!tpu.dma_semaphore, #tpu.memory_space<semaphore_mem>>
    %dma_wait3A_100 = arith.constant 0 : i32
    %dma_wait3A_101 = tpu.memref_slice %arg4[%dma_wait3A_89, %dma_wait3A_100, %mul3A_2] : memref<200x32x4096xf32, #tpu.memory_space<hbm>> -> memref<1x32x128xf32, #tpu.memory_space<hbm>>
    %dma_wait3A_102 = tpu.memref_squeeze %dma_wait3A_101 : memref<1x32x128xf32, #tpu.memory_space<hbm>> -> memref<32x128xf32, #tpu.memory_space<hbm>>
    %dma_wait3A_103 = arith.constant 0 : i32
    %dma_wait3A_104 = arith.constant 0 : i32
    %dma_wait3A_105 = tpu.memref_slice %arg7[%dma_wait3A_88, %dma_wait3A_103, %dma_wait3A_104] : memref<2x32x137xf32, #tpu.memory_space<vmem>> -> memref<1x32x128xf32, #tpu.memory_space<vmem>>
    %dma_wait3A_106 = tpu.memref_squeeze %dma_wait3A_105 : memref<1x32x128xf32, #tpu.memory_space<vmem>> -> memref<32x128xf32, #tpu.memory_space<vmem>>
    tpu.wait_dma2 semaphore(%dma_wait3A_99 : memref<!tpu.dma_semaphore, #tpu.memory_space<semaphore_mem>>) src(%dma_wait3A_106 : memref<32x128xf32, #tpu.memory_space<vmem>>) dst(%dma_wait3A_102 : memref<32x128xf32, #tpu.memory_space<hbm>>)
    return
  }
}

</mosaic_0001>

<sc_bundles>
// kernel: kernel.3.cloned.1.call-start
scs
__scs_entry_jumppad:
0x0: {  	(pc) =	sbr.rel $0x88, $3  }
0x1: {  	(tag) =	ssettag $0x0;
	lr =	simm.s32 $0x1  }
0x2: {  	[smem:$0x3F9F] =	sst lr;
	_ =	strace $0xD0000000  }
0x3: {  	_ = 	snop  }
0x4: {  	_ = 	snop  }
0x5: {  	_ = 	snop  }
0x6: {  	_ = 	snop  }
0x7: {  	_ = 	snop  }
__scs_overlays_trampoline_lowered:
0x8: {  	[smem:$0x3FAE] =	sst s0  }
0x9: {  	[smem:$0x3FAF] =	sst s1  }
0xa: {  	[smem:$0x3FB0] =	sst s2  }
0xb: {  	[smem:$0x3FB1] =	sst s3  }
0xc: {  	[smem:$0x3FB2] =	sst s4  }
0xd: {  	[smem:$0x3FB3] =	sst s5  }
0xe: {  	[smem:$0x3FB4] =	sst s6  }
0xf: {  	[smem:$0x3FB5] =	sst s7  }
0x10: {  	[smem:$0x3FB6] =	sst s8  }
0x11: {  	[smem:$0x3FB7] =	sst s9;
	s0 =	simm.s32 @!p0 $0x0  }
0x12: {  	s1 =	sld [smem:$0x3F9D];
	s0 =	simm.s32 @p0 $0x1  }
0x13: {  	[smem:$0x3FB8] =	sst s0;
	s0 =	simm.s32 @!p1 $0x0  }
0x14: {  	s2 =	sld [smem:$0x3F9C];
	s0 =	simm.s32 @p1 $0x1  }
0x15: {  	[smem:$0x3FB9] =	sst s0;
	s0 =	simm.s32 @!p2 $0x0  }
0x16: {  	s3 =	sld [smem:$0x3FDB];
	s0 =	simm.s32 @p2 $0x1  }
0x17: {  	s4 =	simm.s32 $0x1BF5;
	[smem:$0x3FBB] =	sst s0  }
0x18: {  	s0 =	sld [smem:$0x3F9E];
	_ =	swait.ge [sflag:s4], $0x0  }
0x19: {  	s7 =	sld [smem:$0x3F9F]  }
0x1a: {  	s8 =	sadd.s32 $0xFFFFE003, lr  }
0x1b: {  	s9 =	sadd.s32 $0xFFFFFEF7, lr;
	s5 =	simm.s32 $0xFFFFFFFF;
	p2 =	slt.u32 s8, $0xFFFFF086  }
0x1c: {  	p1 =	slt.u32 s9, $0xF7A;
	s5 =	simm.s32 @!p2 $0x0  }
0x1d: {  	s5 =	simm.s32 @p1 $0x1;
	p0 =	seq.s32 s7, s2  }
0x1e: {  	s7 =	smul.u32 @!p0 $0xF7A, s2;
	p2 =	seq.s32 @!p0 s5, $0x0  }
0x1f: {  	s9 =	smul.u32 $0xF7A, s1;
	s8 =	simm.s32 @!p0 $0x1BF5;
	p2 =	por !p2, p0  }
0x20: {  	[sflag:s8] =	ssyncset.s32 @!p0 $0xFFFFF086;
	s6 =	sadd.s32 @!p0 s3, s7;
	s7 =	simm.s32 @!p0 $0x108  }
0x21: {  	s3 =	sadd.s32 s3, s9;
	s6 =	sadd.s32 @!p0 $0x88, s6;
	s7 =	simm.s32 @p2 $0x1082  }
0x22: {  	[simem:s7], [sflag:s8] =	dma.local @!p0 [hbm:s6], $0xF7A  }
0x23: {  	s9 =	sor.u32 $0xD0000000, s2;
	s6 =	simm.s32 $0x108;
	_ =	swait.ge @!p0 [sflag:s8], $0x0  }
0x24: {  	s3 =	sadd.s32 $0x88, s3;
	s6 =	simm.s32 @!p1 $0x1082;
	[sflag:s4] =	ssyncset.s32 $0xFFFFF086  }
0x25: {  	[simem:s6], [sflag:s4] =	dma.local [hbm:s3], $0xF7A  }
0x26: {  	[smem:$0x3F9F] =	sst s1;
	(tag) =	ssettag s2;
	_ =	strace s9  }
0x27: {  	s1 =	sld [smem:$0x3FAF]  }
0x28: {  	s2 =	sld [smem:$0x3FB0]  }
0x29: {  	s4 =	sld [smem:$0x3FB2]  }
0x2a: {  	p0 =	seq.s32 s5, $0x0;
	s5 =	sld [smem:$0x3FB3]  }
0x2b: {  	s6 =	sld [smem:$0x3FB4]  }
0x2c: {  	s7 =	sld [smem:$0x3FB5]  }
0x2d: {  	s3 =	simm.s32 $0x108;
	s8 =	sld [smem:$0x3FB6]  }
0x2e: {  	s3 =	simm.s32 @!p0 $0x1082;
	s9 =	sld [smem:$0x3FB7]  }
0x2f: {  	lr =	sadd.s32 s0, s3;
	s0 =	sld [smem:$0x3FAE]  }
0x30: {  	s3 =	sld [smem:$0x3FB1]  }
0x31: {  	[smem:$0x3FBA] =	sst s10  }
0x32: {  	s10 =	sld [smem:$0x3FB8];
	_ =	sdelay $0x3  }
0x33: {  	p0 =	seq.s32 s10, $0x1;
	s10 =	sld [smem:$0x3FBA];
	_ =	sdelay $0x3  }
0x34: {  	[smem:$0x3FBA] =	sst s10  }
0x35: {  	s10 =	sld [smem:$0x3FB9];
	_ =	sdelay $0x3  }
0x36: {  	p1 =	seq.s32 s10, $0x1;
	s10 =	sld [smem:$0x3FBA];
	_ =	sdelay $0x3  }
0x37: {  	[smem:$0x3FBA] =	sst s10  }
0x38: {  	s10 =	sld [smem:$0x3FBB]  }
0x39: {  	_ = 	snop;
	(pc) =	sbr.ind lr, $3  }
0x3a: {  	_ = 	snop  }
0x3b: {  	_ = 	snop  }
0x3c: {  	p2 =	seq.s32 s10, $0x1;
	s10 =	sld [smem:$0x3FBA]  }
0x3d: {  	_ =	shalt  }
0x3e: {  	_ =	shalt  }
0x3f: {  	_ =	shalt  }
0x40: {  	_ =	shalt  }
0x41: {  	_ =	shalt  }
0x42: {  	_ =	shalt  }
0x43: {  	_ =	shalt  }
0x44: {  	_ =	shalt  }
0x45: {  	_ =	shalt  }
0x46: {  	_ =	shalt  }
0x47: {  	_ =	shalt  }
0x48: {  	_ =	shalt  }
0x49: {  	_ =	shalt  }
0x4a: {  	_ =	shalt  }
0x4b: {  	_ =	shalt  }
0x4c: {  	_ =	shalt  }
0x4d: {  	_ =	shalt  }
0x4e: {  	_ =	shalt  }
0x4f: {  	_ =	shalt  }
0x50: {  	_ =	shalt  }
0x51: {  	_ =	shalt  }
0x52: {  	_ =	shalt  }
0x53: {  	_ =	shalt  }
0x54: {  	_ =	shalt  }
0x55: {  	_ =	shalt  }
0x56: {  	_ =	shalt  }
0x57: {  	_ =	shalt  }
0x58: {  	_ =	shalt  }
0x59: {  	_ =	shalt  }
0x5a: {  	_ =	shalt  }
0x5b: {  	_ =	shalt  }
0x5c: {  	_ =	shalt  }
0x5d: {  	_ =	shalt  }
0x5e: {  	_ =	shalt  }
0x5f: {  	_ =	shalt  }
0x60: {  	_ =	shalt  }
0x61: {  	_ =	shalt  }
0x62: {  	_ =	shalt  }
0x63: {  	_ =	shalt  }
0x64: {  	_ =	shalt  }
0x65: {  	_ =	shalt  }
0x66: {  	_ =	shalt  }
0x67: {  	_ =	shalt  }
0x68: {  	_ =	shalt  }
0x69: {  	_ =	shalt  }
0x6a: {  	_ =	shalt  }
0x6b: {  	_ =	shalt  }
0x6c: {  	_ =	shalt  }
0x6d: {  	_ =	shalt  }
0x6e: {  	_ =	shalt  }
0x6f: {  	_ =	shalt  }
0x70: {  	_ =	shalt  }
0x71: {  	_ =	shalt  }
0x72: {  	_ =	shalt  }
0x73: {  	_ =	shalt  }
0x74: {  	_ =	shalt  }
0x75: {  	_ =	shalt  }
0x76: {  	_ =	shalt  }
0x77: {  	_ =	shalt  }
0x78: {  	_ =	shalt  }
0x79: {  	_ =	shalt  }
0x7a: {  	_ =	shalt  }
0x7b: {  	_ =	shalt  }
0x7c: {  	_ =	shalt  }
0x7d: {  	_ =	shalt  }
0x7e: {  	_ =	shalt  }
0x7f: {  	_ =	shalt  }
0x80: {  	_ =	shalt  }
0x81: {  	_ =	shalt  }
0x82: {  	_ =	shalt  }
0x83: {  	_ =	shalt  }
0x84: {  	_ =	shalt  }
0x85: {  	_ =	shalt  }
0x86: {  	_ =	shalt  }
0x87: {  	_ =	shalt  }
.Lfunc_end0:
.L_simem_size_0:
called_computation_lowered:
.L_overlay_start_0:
0x88: {  	s2 =	sld [smem:$0x3FD9]  }
0x89: {  	s3 =	sld [smem:$0x3FFE];
	_ =	sdelay $0x1  }
0x8a: {  	s1 =	srdreg.scid  }
0x8b: {  	s0 =	sand.u32 $0x1, s1  }
0x8c: {  	s17 =	sshll.u32 s0, $0xA;
	s2 =	sadd.s32 s3, s2  }
0x8d: {  	s2 =	sadd.s32 s2, s17  }
0x8e: {  	[smem:$0x3FC6] =	sst s2  }
0x8f: {  	_ = 	snop  }
0x90: {  	s2 =	sld [smem:$0x3FD0];
	(tm) =	ssettm $0x1  }
0x91: {  	s18 =	sld [smem:$0x3FFB];
	_ =	sdelay $0x3  }
0x92: {  	_ =	strace s18  }
0x93: {  	s3 =	sld [smem:$0x3FFC];
	_ =	sdelay $0x3  }
0x94: {  	_ =	strace s3  }
0x95: {  	s3 =	sld [smem:$0x3FFD];
	_ =	sdelay $0x3  }
0x96: {  	_ =	strace s3  }
0x97: {  	_ =	strace $0x8FFFFFFF  }
0x98: {  	s19 =	sld [smem:$0x3FDB];
	_ =	sdelay $0x1  }
0x99: {  	s4 =	simm.s32 $_scs_section_size  }
0x9a: {  	s5 =	simm.s32 $_size__tile_overlayer_lowered;
	s6 =	simm.s32 $_tile_overlayer_lowered  }
0x9b: {  	s22 =	simm.s32 $0x1BFF;
	s21 =	sshll.u32 s6, $0x1;
	s3 =	sadd.s32 s4, s19  }
0x9c: {  	s7 =	simm.s32 $0x0;
	s20 =	sshll.u32 s5, $0x1;
	s5 =	sadd.s32 s21, s3  }
0x9d: {  	[timem:s7], [sflag:s22] =	dma.local [hbm:s5], s20  }
0x9e: {  	_ =	swait.ge [sflag:s22], s20  }
0x9f: {  	s4 =	ssub.s32 $0x0, s20;
	[sflag:s22] =	ssyncset.done $0x0  }
0xa0: {  	[sflag:s22] =	ssyncadd.s32 s4;
	_ =	sdelay $0x1  }
0xa1: {  	s23 =	simm.s32 $0x1B8B  }
0xa2: {  	_ =	swait.ge [sflag:s23], $0x1  }
0xa3: {  	[sflag:s23] =	ssyncset.done $0x0  }
0xa4: {  	s25 =	simm.s32 $0x1B8E;
	s24 =	sld [smem:$0x3FFE];
	[sflag:s23] =	ssyncadd.s32 $0xFFFFFFFF  }
0xa5: {  	s26 =	simm.s32 $execute0_lowered;
	[smem:$0x3FD2] =	sst s25  }
0xa6: {  	s5 =	sshll.u32 s26, $0x1;
	_ =	strace $0x80000046;
	[dreg:$0x1] =	wrdreg $0xFFFFFFFF  }
0xa7: {  	s28 =	simm.s32 $_size_execute0_lowered;
	s3 =	sadd.s32 s3, s5;
	[dreg:$0x0] =	wrdreg $0x0  }
0xa8: {  	s5 =	sshll.u32 s28, $0x1;
	[dreg:$0x2] =	wrdreg s3  }
0xa9: {  	[dreg:$0x3] =	wrdreg s5  }
0xaa: {  	[dreg:$0x4] =	wrdreg $0xC0  }
0xab: {  	_ =	task [dreg:s7], $0x5FFFF  }
0xac: {  	[dreg:$0x1] =	wrdreg $0xFFFFFFFF  }
0xad: {  	[dreg:$0x0] =	wrdreg $0x60  }
0xae: {  	[dreg:$0x2] =	wrdreg s2  }
0xaf: {  	[dreg:$0x3] =	wrdreg s24  }
0xb0: {  	[dreg:$0x4] =	wrdreg $0x9  }
0xb1: {  	_ =	task.clear_ibuf [dreg:s7], $0x5FFFF;
	_ =	strace $0x90000046  }
0xb2: {  	s29 =	simm.s32 $0x9;
	_ =	strace $0x80000048  }
0xb3: {  	_ =	swait.ge [sflag:s29], $0x1  }
0xb4: {  	[sflag:s29] =	ssyncadd.s32 $0xFFFFFFFF  }
0xb5: {  	_ =	strace $0x90000048  }
0xb6: {  	_ =	sfence  }
0xb7: {  	s30 =	sld [smem:$0x0];
	_ =	sdelay $0x2  }
0xb8: {  	s31 =	sshll.u32 s1, $0xD;
	s1 =	sshrl.u32 s1, $0x2  }
0xb9: {  	s3 =	sand.u32 $0x4000, s31;
	s1 =	sadd.s32 s1, s30  }
0xba: {  	s0 =	sor.u32 s3, s0;
	s1 =	sshll.u32 s1, $0x11  }
0xbb: {  	s0 =	sor.u32 s1, s0  }
0xbc: {  	s0 =	sadd.s32 $0x8F2B, s0  }
0xbd: {  	[sflag:s0] =	ssyncadd.remote.s32 $0x1  }
0xbe: {  	_ =	sfence.sel $0xFFFF  }
0xbf: {  	[dreg:$0x0] =	wrdreg $0xFFFFFFFF;
	(pc) =	sbr.abs _section_cstart, $3  }
0xc0: {  	[dreg:$0x1] =	wrdreg $0xFFFFFFFF  }
0xc1: {  	_ =	task.clear_ibuf [dreg:s7], $0x2FFFF;
	_ =	strace $0x9FFFFFFF  }
0xc2: {  	(tm) =	ssettm $0x7FFFFFFF  }
0xc3: {  	_ =	shalt  }
tec
execute0_lowered:
.L_overlay_start_1:
0x0: {  	(tag) =	ssettag $0x1  }
0x1: {  	s0 =	rddreg [dreg:$0x0]  }
0x2: {  	s1 =	rddreg [dreg:$0x1];
	s2 =	simm.s32 $0x0  }
0x3: {  	s3 =	srdreg.scid;
	s5 =	stileid.u32;
	s11 =	simm.s32 $0x80  }
0x4: {  	s13 =	simm.s32 $0x7;
	s17 =	simm.s32 $0x8400;
	s18 =	simm.s32 $0x180  }
0x5: {  	s19 =	simm.s32 $0x9400;
	s20 =	simm.s32 $0x1;
	s21 =	simm.s32 $0xA400  }
0x6: {  	v0 =	vlaneseq.u32;
	s22 =	simm.s32 $0x2;
	s23 =	simm.s32 $0xB600;
	s24 =	simm.s32 $0x3  }
0x7: {  	v1 =	vimm.s32 $0x0;
	vm0 =	vcmask $0x300;
	s25 =	simm.s32 $0x5;
	s26 =	simm.s32 $0x4;
	s28 =	simm.s32 $0x6;
	v0 =	vmul.u32 $0x90, v0  }
0x8: {  	s29 =	simm.s32 $0x0;
	[smem:$0x7FF] =	sst s2;
	s4 =	sand.u32 $0x1, s3;
	v1 =	vsel vm0, $0x3, v1  }
0x9: {  	s5 =	sshll.u32 s5, $0x8;
	s3 =	sadd.s32 $0xF42A00, s1;
	s9 =	sadd.s32 $0xC600, s1;
	v2 =	vadd.s32 $0x900, v0;
	v3 =	vor.u32 $0x1, v0;
	v4 =	vadd.s32 $0x901, v0  }
0xa: {  	_ =	strace $0x80000047;
	s6 =	sshll.u32 s4, $0x7;
	s7 =	ssub.s32 $0x2, s4;
	v5 =	vor.u32 $0x2, v0;
	v6 =	vadd.s32 $0x902, v0;
	v7 =	vor.u32 $0x3, v0  }
0xb: {  	s4 =	sor.u32 s6, s5;
	s5 =	sadd.s32 $0x600, s1;
	s31 =	sshrl.u32 s7, $0x1;
	v8 =	vadd.s32 $0x903, v0;
	v9 =	vor.u32 $0x4, v0;
	v10 =	vadd.s32 $0x904, v0  }
0xc: {  	v11 =	vor.u32 $0x5, v0;
	v12 =	vadd.s32 $0x905, v0;
	v13 =	vor.u32 $0x6, v0;
	s8 =	sshrl.u32 s4, $0x3;
	s10 =	ssub.s32 s7, s31;
	s7 =	sadd.s32 $0x4600, s1  }
0xd: {  	v14 =	vadd.s32 $0x906, v0;
	v15 =	vor.u32 $0x7, v0;
	v16 =	vadd.s32 $0x907, v0;
	s6 =	sadd.s32 s0, s8;
	s8 =	sadd.s32 $0x8600, s1;
	s10 =	smax.u32 s10, $0x1  }
.LBB2_1:
0xe: {  	s0 =	simm.s32 $0x1000  }
0xf: {  	[tilespmem:s2], [sflag:$0x7] =	stream.strided.gather [hbm4b:s6+s11], $0x6400, s0, s11, $0x38;
	[tilespmem:$0xC800] =	vst v63  }
0x10: {  	_ =	swait.ge [sflag:s13], $0x6400  }
0x11: {  	[sflag:s13] =	ssyncset.done $0x0  }
0x12: {  	s15 =	simm.s32 $0x6400;
	[sflag:s13] =	ssyncadd.s32 $0xFFFF9C00  }
0x13: {  	[tilespmem:s15], [sflag:$0x1] =	stream.indirect.gather [hbm4b:s3+s11], $0x20, s2, s11, $0xb8;
	[tilespmem:$0xC800] =	vst v63  }
0x14: {  	s16 =	simm.s32 $0x7400  }
0x15: {  	[tilespmem:s16], [sflag:$0x2] =	stream.indirect.gather [hbm4b:s3+s11], $0x20, s11, s11, $0xb8;
	[tilespmem:$0xC800] =	vst v63  }
0x16: {  	s31 =	simm.s32 $0x100  }
0x17: {  	[tilespmem:s17], [sflag:$0x3] =	stream.indirect.gather [hbm4b:s3+s11], $0x20, s31, s11, $0xb8;
	[tilespmem:$0xC800] =	vst v63  }
0x18: {  	s30 =	simm.s32 $0x0  }
0x19: {  	[tilespmem:s19], [sflag:$0x4] =	stream.indirect.gather [hbm4b:s3+s11], $0x20, s18, s11, $0xb8;
	[tilespmem:$0xC800] =	vst v63  }
.LBB2_2:
0x1a: {  	_ =	swait.ge [sflag:s20], $0x1000;
	s0 =	simm.s32 $0x0  }
0x1b: {  	p1 =	seq.s32 s30, $0x0;
	[sflag:s20] =	ssyncset.done $0x0;
	v17 =	vmov s0  }
0x1c: {  	s0 =	simm.s32 @!p1 $0x5;
	[sflag:s20] =	ssyncadd.s32 $0xFFFFF000;
	v17 =	vshrl.u32 v17, $0x3  }
0x1d: {  	_ =	swait.ge @!p1 [sflag:s0], $0x1000;
	v17 =	vshll.u32 v17, v1  }
0x1e: {  	[sflag:s0] =	ssyncset.done @!p1 $0x0;
	v17 =	vbroadcast v17, $0x0  }
0x1f: {  	s31 =	simm.s32 $0x6480;
	[sflag:s0] =	ssyncadd.s32 @!p1 $0xFFFFF000  }
0x20: {  	v18 =	vld [tilespmem:s31+$0xFFFFFF80];
	v19 =	vadd.s32 v0, v17  }
0x21: {  	s15 =	simm.s32 $0x1;
	v20 =	vld [tilespmem:s31+$0xFFFFFF90];
	v17 =	vadd.s32 v2, v17  }
0x22: {  	v21 =	vmov s15  }
0x23: {  	v21 =	vshrl.u32 v21, $0x3  }
0x24: {  	v21 =	vshll.u32 v21, v1  }
0x25: {  	[tilespmem:v19+s21+$0x0] =	vst.idx.msk $0xffff, v18;
	v18 =	vbroadcast v21, $0x0  }
0x26: {  	[tilespmem:v17+s21+$0x0] =	vst.idx.msk $0xffff, v20  }
0x27: {  	v17 =	vld [tilespmem:s31+$0xFFFFFFA0];
	v19 =	vadd.s32 v3, v18  }
0x28: {  	s16 =	simm.s32 $0x2;
	v20 =	vld [tilespmem:s31+$0xFFFFFFB0];
	v18 =	vadd.s32 v4, v18  }
0x29: {  	v58 =	vmov s16  }
0x2a: {  	v21 =	vshrl.u32 v58, $0x3  }
0x2b: {  	v21 =	vshll.u32 v21, v1  }
0x2c: {  	[tilespmem:v19+s21+$0x0] =	vst.idx.msk $0xffff, v17;
	v17 =	vbroadcast v21, $0x0  }
0x2d: {  	[tilespmem:v18+s21+$0x0] =	vst.idx.msk $0xffff, v20  }
0x2e: {  	v18 =	vld [tilespmem:s31+$0xFFFFFFC0];
	v19 =	vadd.s32 v5, v17  }
0x2f: {  	s1 =	simm.s32 $0x3;
	v20 =	vld [tilespmem:s31+$0xFFFFFFD0];
	v17 =	vadd.s32 v6, v17  }
0x30: {  	v59 =	vmov s1  }
0x31: {  	v21 =	vshrl.u32 v59, $0x3  }
0x32: {  	v21 =	vshll.u32 v21, v1  }
0x33: {  	[tilespmem:v19+s21+$0x0] =	vst.idx.msk $0xffff, v18;
	v18 =	vbroadcast v21, $0x0  }
0x34: {  	[tilespmem:v17+s21+$0x0] =	vst.idx.msk $0xffff, v20  }
0x35: {  	v17 =	vld [tilespmem:s31+$0xFFFFFFE0];
	v19 =	vadd.s32 v7, v18  }
0x36: {  	s12 =	simm.s32 $0x4;
	v20 =	vld [tilespmem:s31+$0xFFFFFFF0];
	v18 =	vadd.s32 v8, v18  }
0x37: {  	v60 =	vmov s12  }
0x38: {  	v21 =	vshrl.u32 v60, $0x3  }
0x39: {  	v21 =	vshll.u32 v21, v1  }
0x3a: {  	[tilespmem:v19+s21+$0x0] =	vst.idx.msk $0xffff, v17;
	v17 =	vbroadcast v21, $0x0  }
0x3b: {  	[tilespmem:v18+s21+$0x0] =	vst.idx.msk $0xffff, v20  }
0x3c: {  	v18 =	vld [tilespmem:s31+$0x0];
	v19 =	vadd.s32 v9, v17  }
0x3d: {  	s14 =	simm.s32 $0x5;
	v20 =	vld [tilespmem:s31+$0x10];
	v17 =	vadd.s32 v10, v17  }
0x3e: {  	v61 =	vmov s14  }
0x3f: {  	v21 =	vshrl.u32 v61, $0x3  }
0x40: {  	v21 =	vshll.u32 v21, v1  }
0x41: {  	[tilespmem:v19+s21+$0x0] =	vst.idx.msk $0xffff, v18;
	v18 =	vbroadcast v21, $0x0  }
0x42: {  	[tilespmem:v17+s21+$0x0] =	vst.idx.msk $0xffff, v20  }
0x43: {  	v17 =	vld [tilespmem:s31+$0x20];
	v19 =	vadd.s32 v11, v18  }
0x44: {  	s15 =	simm.s32 $0x6;
	v20 =	vld [tilespmem:s31+$0x30];
	v18 =	vadd.s32 v12, v18  }
0x45: {  	v62 =	vmov s15  }
0x46: {  	v21 =	vshrl.u32 v62, $0x3  }
0x47: {  	v21 =	vshll.u32 v21, v1  }
0x48: {  	[tilespmem:v19+s21+$0x0] =	vst.idx.msk $0xffff, v17;
	v17 =	vbroadcast v21, $0x0  }
0x49: {  	[tilespmem:v18+s21+$0x0] =	vst.idx.msk $0xffff, v20  }
0x4a: {  	v18 =	vld [tilespmem:s31+$0x40];
	v19 =	vadd.s32 v13, v17  }
0x4b: {  	s16 =	simm.s32 $0x7;
	v20 =	vld [tilespmem:s31+$0x50];
	v17 =	vadd.s32 v14, v17  }
0x4c: {  	v63 =	vmov s16  }
0x4d: {  	v21 =	vshrl.u32 v63, $0x3  }
0x4e: {  	v21 =	vshll.u32 v21, v1  }
0x4f: {  	[tilespmem:v19+s21+$0x0] =	vst.idx.msk $0xffff, v18;
	v18 =	vbroadcast v21, $0x0  }
0x50: {  	s1 =	simm.s32 $0x8;
	[tilespmem:v17+s21+$0x0] =	vst.idx.msk $0xffff, v20  }
0x51: {  	v17 =	vmov s1;
	v20 =	vld [tilespmem:s31+$0x60];
	v21 =	vadd.s32 v15, v18  }
0x52: {  	v19 =	vshrl.u32 v17, $0x3  }
0x53: {  	v17 =	vld [tilespmem:s31+$0x70];
	v22 =	vshll.u32 v19, v1;
	v19 =	vadd.s32 v16, v18;
	_ =	sdelay $0x2  }
0x54: {  	s12 =	simm.s32 $0x10;
	s0 =	sshll.u32 s30, $0x13;
	v18 =	vbroadcast v22, $0x0;
	[tilespmem:v21+s21+$0x0] =	vst.idx.msk $0xffff, v20  }
.LBB2_3:
0x55: {  	p0 =	slt.u32 s12, $0x78  }
0x56: {  	[tilespmem:v19+s21+$0x0] =	vst.idx.msk $0xffff, v17;
	s31 =	sadd.s32 $0x100, s31;
	s14 =	smov.u32 s12;
	s12 =	sadd.s32 $0x8, s12  }
0x57: {  	v17 =	vld [tilespmem:s31+$0xFFFFFF80];
	v19 =	vadd.s32 v0, v18  }
0x58: {  	s15 =	sadd.s32 $0x1, s1;
	v18 =	vadd.s32 v2, v18;
	v20 =	vld [tilespmem:s31+$0xFFFFFF90]  }
0x59: {  	v21 =	vmov s15  }
0x5a: {  	v21 =	vshrl.u32 v21, $0x3  }
0x5b: {  	v21 =	vshll.u32 v21, v1  }
0x5c: {  	[tilespmem:v19+s21+$0x0] =	vst.idx.msk $0xffff, v17;
	v17 =	vbroadcast v21, $0x0  }
0x5d: {  	[tilespmem:v18+s21+$0x0] =	vst.idx.msk $0xffff, v20  }
0x5e: {  	v18 =	vld [tilespmem:s31+$0xFFFFFFA0];
	v19 =	vadd.s32 v3, v17  }
0x5f: {  	s15 =	sadd.s32 $0x2, s1;
	v17 =	vadd.s32 v4, v17;
	v20 =	vld [tilespmem:s31+$0xFFFFFFB0]  }
0x60: {  	v21 =	vmov s15  }
0x61: {  	v21 =	vshrl.u32 v21, $0x3  }
0x62: {  	v21 =	vshll.u32 v21, v1  }
0x63: {  	[tilespmem:v19+s21+$0x0] =	vst.idx.msk $0xffff, v18;
	v18 =	vbroadcast v21, $0x0  }
0x64: {  	[tilespmem:v17+s21+$0x0] =	vst.idx.msk $0xffff, v20  }
0x65: {  	v17 =	vld [tilespmem:s31+$0xFFFFFFC0];
	v19 =	vadd.s32 v5, v18  }
0x66: {  	s15 =	sadd.s32 $0x3, s1;
	v18 =	vadd.s32 v6, v18;
	v20 =	vld [tilespmem:s31+$0xFFFFFFD0]  }
0x67: {  	v21 =	vmov s15  }
0x68: {  	v21 =	vshrl.u32 v21, $0x3  }
0x69: {  	v21 =	vshll.u32 v21, v1  }
0x6a: {  	[tilespmem:v19+s21+$0x0] =	vst.idx.msk $0xffff, v17;
	v17 =	vbroadcast v21, $0x0  }
0x6b: {  	[tilespmem:v18+s21+$0x0] =	vst.idx.msk $0xffff, v20  }
0x6c: {  	v18 =	vld [tilespmem:s31+$0xFFFFFFE0];
	v19 =	vadd.s32 v7, v17  }
0x6d: {  	s15 =	sadd.s32 $0x4, s1;
	v17 =	vadd.s32 v8, v17;
	v20 =	vld [tilespmem:s31+$0xFFFFFFF0]  }
0x6e: {  	v21 =	vmov s15  }
0x6f: {  	v21 =	vshrl.u32 v21, $0x3  }
0x70: {  	v21 =	vshll.u32 v21, v1  }
0x71: {  	[tilespmem:v19+s21+$0x0] =	vst.idx.msk $0xffff, v18;
	v18 =	vbroadcast v21, $0x0  }
0x72: {  	[tilespmem:v17+s21+$0x0] =	vst.idx.msk $0xffff, v20  }
0x73: {  	v17 =	vld [tilespmem:s31+$0x0];
	v19 =	vadd.s32 v9, v18  }
0x74: {  	s15 =	sadd.s32 $0x5, s1;
	v18 =	vadd.s32 v10, v18;
	v20 =	vld [tilespmem:s31+$0x10]  }
0x75: {  	v21 =	vmov s15  }
0x76: {  	v21 =	vshrl.u32 v21, $0x3  }
0x77: {  	v21 =	vshll.u32 v21, v1  }
0x78: {  	[tilespmem:v19+s21+$0x0] =	vst.idx.msk $0xffff, v17;
	v17 =	vbroadcast v21, $0x0  }
0x79: {  	[tilespmem:v18+s21+$0x0] =	vst.idx.msk $0xffff, v20  }
0x7a: {  	v18 =	vld [tilespmem:s31+$0x20];
	v19 =	vadd.s32 v11, v17  }
0x7b: {  	s15 =	sadd.s32 $0x6, s1;
	v17 =	vadd.s32 v12, v17;
	v20 =	vld [tilespmem:s31+$0x30]  }
0x7c: {  	v21 =	vmov s15  }
0x7d: {  	v21 =	vshrl.u32 v21, $0x3  }
0x7e: {  	v21 =	vshll.u32 v21, v1  }
0x7f: {  	[tilespmem:v19+s21+$0x0] =	vst.idx.msk $0xffff, v18;
	v18 =	vbroadcast v21, $0x0  }
0x80: {  	[tilespmem:v17+s21+$0x0] =	vst.idx.msk $0xffff, v20  }
0x81: {  	v17 =	vld [tilespmem:s31+$0x40];
	v19 =	vadd.s32 v13, v18  }
0x82: {  	s15 =	sadd.s32 $0x7, s1;
	s1 =	smov.u32 s14;
	v18 =	vadd.s32 v14, v18;
	v20 =	vld [tilespmem:s31+$0x50]  }
0x83: {  	v21 =	vmov s15  }
0x84: {  	v21 =	vshrl.u32 v21, $0x3  }
0x85: {  	v21 =	vshll.u32 v21, v1  }
0x86: {  	[tilespmem:v19+s21+$0x0] =	vst.idx.msk $0xffff, v17;
	v19 =	vbroadcast v21, $0x0  }
0x87: {  	[tilespmem:v18+s21+$0x0] =	vst.idx.msk $0xffff, v20  }
0x88: {  	v20 =	vld [tilespmem:s31+$0x60];
	v21 =	vadd.s32 v15, v19  }
.Ltmp0:
0x89: {  	v19 =	vadd.s32 v16, v19;
	v17 =	vld [tilespmem:s31+$0x70];
	(pc) =	sbr.rel @p0 .LBB2_3-.Ltmp0, $4  }
0x8a: {  	v18 =	vmov s1  }
0x8b: {  	v18 =	vshrl.u32 v18, $0x3  }
0x8c: {  	v18 =	vshll.u32 v18, v1  }
0x8d: {  	v18 =	vbroadcast v18, $0x0;
	[tilespmem:v21+s21+$0x0] =	vst.idx.msk $0xffff, v20  }
0x8e: {  	_ =	sdelay $0x3  }
0x8f: {  	[tilespmem:v19+s21+$0x0] =	vst.idx.msk $0xffff, v17;
	s12 =	sadd.s32 $0x100, s31  }
0x90: {  	v17 =	vld [tilespmem:s12+$0xFFFFFF80];
	v19 =	vadd.s32 v0, v18  }
0x91: {  	s14 =	sadd.s32 $0x1, s1;
	v20 =	vld [tilespmem:s12+$0xFFFFFF90];
	v18 =	vadd.s32 v2, v18  }
0x92: {  	v21 =	vmov s14  }
0x93: {  	v21 =	vshrl.u32 v21, $0x3  }
0x94: {  	v21 =	vshll.u32 v21, v1  }
0x95: {  	[tilespmem:v19+s21+$0x0] =	vst.idx.msk $0xffff, v17;
	v17 =	vbroadcast v21, $0x0  }
0x96: {  	[tilespmem:v18+s21+$0x0] =	vst.idx.msk $0xffff, v20  }
0x97: {  	v18 =	vld [tilespmem:s12+$0xFFFFFFA0];
	v19 =	vadd.s32 v3, v17  }
0x98: {  	s15 =	sadd.s32 $0x2, s1;
	v20 =	vld [tilespmem:s12+$0xFFFFFFB0];
	v17 =	vadd.s32 v4, v17  }
0x99: {  	v58 =	vmov s15  }
0x9a: {  	v21 =	vshrl.u32 v58, $0x3  }
0x9b: {  	v21 =	vshll.u32 v21, v1  }
0x9c: {  	[tilespmem:v19+s21+$0x0] =	vst.idx.msk $0xffff, v18;
	v18 =	vbroadcast v21, $0x0  }
0x9d: {  	[tilespmem:v17+s21+$0x0] =	vst.idx.msk $0xffff, v20  }
0x9e: {  	v17 =	vld [tilespmem:s12+$0xFFFFFFC0];
	v19 =	vadd.s32 v5, v18  }
0x9f: {  	s16 =	sadd.s32 $0x3, s1;
	v20 =	vld [tilespmem:s12+$0xFFFFFFD0];
	v18 =	vadd.s32 v6, v18  }
0xa0: {  	v59 =	vmov s16  }
0xa1: {  	v21 =	vshrl.u32 v59, $0x3  }
0xa2: {  	v21 =	vshll.u32 v21, v1  }
0xa3: {  	[tilespmem:v19+s21+$0x0] =	vst.idx.msk $0xffff, v17;
	v17 =	vbroadcast v21, $0x0  }
0xa4: {  	[tilespmem:v18+s21+$0x0] =	vst.idx.msk $0xffff, v20  }
0xa5: {  	v18 =	vld [tilespmem:s12+$0xFFFFFFE0];
	v19 =	vadd.s32 v7, v17  }
0xa6: {  	s15 =	sadd.s32 $0x4, s1;
	v20 =	vld [tilespmem:s12+$0xFFFFFFF0];
	v17 =	vadd.s32 v8, v17  }
0xa7: {  	v60 =	vmov s15  }
0xa8: {  	v21 =	vshrl.u32 v60, $0x3  }
0xa9: {  	v21 =	vshll.u32 v21, v1  }
0xaa: {  	[tilespmem:v19+s21+$0x0] =	vst.idx.msk $0xffff, v18;
	v18 =	vbroadcast v21, $0x0  }
0xab: {  	[tilespmem:v17+s21+$0x0] =	vst.idx.msk $0xffff, v20  }
0xac: {  	v17 =	vld [tilespmem:s12+$0x0];
	v19 =	vadd.s32 v9, v18  }
0xad: {  	s16 =	sadd.s32 $0x5, s1;
	v20 =	vld [tilespmem:s12+$0x10];
	v18 =	vadd.s32 v10, v18  }
0xae: {  	v61 =	vmov s16  }
0xaf: {  	v21 =	vshrl.u32 v61, $0x3  }
0xb0: {  	v21 =	vshll.u32 v21, v1  }
0xb1: {  	[tilespmem:v19+s21+$0x0] =	vst.idx.msk $0xffff, v17;
	v17 =	vbroadcast v21, $0x0  }
0xb2: {  	[tilespmem:v18+s21+$0x0] =	vst.idx.msk $0xffff, v20  }
0xb3: {  	v18 =	vld [tilespmem:s12+$0x20];
	v19 =	vadd.s32 v11, v17  }
0xb4: {  	s15 =	sadd.s32 $0x6, s1;
	v20 =	vld [tilespmem:s12+$0x30];
	v17 =	vadd.s32 v12, v17  }
0xb5: {  	v62 =	vmov s15  }
0xb6: {  	v21 =	vshrl.u32 v62, $0x3  }
0xb7: {  	v21 =	vshll.u32 v21, v1  }
0xb8: {  	[tilespmem:v19+s21+$0x0] =	vst.idx.msk $0xffff, v18;
	v18 =	vbroadcast v21, $0x0  }
0xb9: {  	[tilespmem:v17+s21+$0x0] =	vst.idx.msk $0xffff, v20  }
0xba: {  	v17 =	vld [tilespmem:s12+$0x40];
	v19 =	vadd.s32 v13, v18  }
0xbb: {  	s16 =	sadd.s32 $0x7, s1;
	v20 =	vld [tilespmem:s12+$0x50];
	v18 =	vadd.s32 v14, v18  }
0xbc: {  	v63 =	vmov s16  }
0xbd: {  	v21 =	vshrl.u32 v63, $0x3  }
0xbe: {  	v21 =	vshll.u32 v21, v1  }
0xbf: {  	[tilespmem:v19+s21+$0x0] =	vst.idx.msk $0xffff, v17;
	v17 =	vbroadcast v21, $0x0  }
0xc0: {  	[tilespmem:v18+s21+$0x0] =	vst.idx.msk $0xffff, v20  }
0xc1: {  	v18 =	vld [tilespmem:s12+$0x60];
	v19 =	vadd.s32 v15, v17  }
0xc2: {  	v20 =	vld [tilespmem:s12+$0x70];
	v17 =	vadd.s32 v16, v17;
	_ =	sdelay $0x1  }
0xc3: {  	p0 =	seq.s32 s30, $0x31  }
0xc4: {  	s1 =	sshll.u32 @!p0 s30, $0x9  }
0xc5: {  	s0 =	sor.u32 s4, s0;
	s14 =	simm.s32 @!p0 $0x6400;
	s31 =	sand.u32 @!p0 $0x3FFFFE00, s1;
	[tilespmem:v19+s21+$0x0] =	vst.idx.msk $0xffff, v18  }
0xc6: {  	s0 =	sshrl.u32 s0, $0x3;
	s1 =	sadd.s32 @!p0 $0x200, s31;
	s12 =	simm.s32 @!p0 $0x80;
	[tilespmem:v17+s21+$0x0] =	vst.idx.msk $0xffff, v20  }
0xc7: {  	[tilespmem:s14], [sflag:$0x1] =	stream.indirect.gather @!p0 [hbm4b:s3+s12], $0x20, s1, s12, $0xb8;
	[tilespmem:$0xC800] =	vst v63  }
0xc8: {  	s15 =	simm.s32 $0xA490;
	s1 =	sadd.s32 s5, s0  }
0xc9: {  	s12 =	simm.s32 $0xA400;
	s14 =	simm.s32 $0x200;
	s16 =	sadd.s32 $0x0, s1  }
.LBB2_5:
0xca: {  	[hbm4b:s16+s2] =	stream.linear.scatter [tilespmem:s12], [sflag:$0x5], $0x80, $0x38;
	[tilespmem:$0xC800] =	vst v63  }
0xcb: {  	s16 =	smov.u32 s14;
	s12 =	smov.u32 s15;
	p2 =	sne.s32 s14, $0x3E00  }
.Ltmp1:
0xcc: {  	s14 =	sadd.s32 $0x200, s14;
	(pc) =	sbr.rel @p2 .LBB2_5-.Ltmp1, $2  }
0xcd: {  	_ =	sdelay $0x2  }
0xce: {  	s15 =	sadd.s32 $0x90, s15;
	s16 =	sadd.s32 s16, s1  }
0xcf: {  	[hbm4b:s16+s2] =	stream.linear.scatter [tilespmem:s12], [sflag:$0x5], $0x80, $0x38;
	[tilespmem:$0xC800] =	vst v63  }
0xd0: {  	s1 =	simm.s32 $0x0;
	_ =	swait.ge [sflag:s22], $0x1000  }
0xd1: {  	v17 =	vmov s1;
	[sflag:s22] =	ssyncset.done $0x0  }
0xd2: {  	s1 =	simm.s32 @!p1 $0x6;
	v17 =	vshrl.u32 v17, $0x3;
	[sflag:s22] =	ssyncadd.s32 $0xFFFFF000  }
0xd3: {  	v17 =	vshll.u32 v17, v1;
	_ =	swait.ge @!p1 [sflag:s1], $0x1000  }
0xd4: {  	v17 =	vbroadcast v17, $0x0;
	[sflag:s1] =	ssyncset.done @!p1 $0x0  }
0xd5: {  	[sflag:s1] =	ssyncadd.s32 @!p1 $0xFFFFF000;
	s1 =	simm.s32 $0x74F0  }
0xd6: {  	v19 =	vadd.s32 v0, v17;
	v18 =	vld [tilespmem:s1+$0xFFFFFF10]  }
0xd7: {  	s16 =	simm.s32 $0x1;
	v17 =	vadd.s32 v2, v17;
	v20 =	vld [tilespmem:s1+$0xFFFFFF20]  }
0xd8: {  	v21 =	vmov s16  }
0xd9: {  	v21 =	vshrl.u32 v21, $0x3  }
0xda: {  	v21 =	vshll.u32 v21, v1  }
0xdb: {  	[tilespmem:v19+s23+$0x0] =	vst.idx.msk $0xffff, v18;
	v18 =	vbroadcast v21, $0x0  }
0xdc: {  	[tilespmem:v17+s23+$0x0] =	vst.idx.msk $0xffff, v20  }
0xdd: {  	v17 =	vld [tilespmem:s1+$0xFFFFFF30];
	v19 =	vadd.s32 v3, v18  }
0xde: {  	s14 =	simm.s32 $0x2;
	v20 =	vld [tilespmem:s1+$0xFFFFFF40];
	v18 =	vadd.s32 v4, v18  }
0xdf: {  	v58 =	vmov s14  }
0xe0: {  	v21 =	vshrl.u32 v58, $0x3  }
0xe1: {  	v21 =	vshll.u32 v21, v1  }
0xe2: {  	[tilespmem:v19+s23+$0x0] =	vst.idx.msk $0xffff, v17;
	v17 =	vbroadcast v21, $0x0  }
0xe3: {  	[tilespmem:v18+s23+$0x0] =	vst.idx.msk $0xffff, v20  }
0xe4: {  	v18 =	vld [tilespmem:s1+$0xFFFFFF50];
	v19 =	vadd.s32 v5, v17  }
0xe5: {  	s15 =	simm.s32 $0x3;
	v20 =	vld [tilespmem:s1+$0xFFFFFF60];
	v17 =	vadd.s32 v6, v17  }
0xe6: {  	v59 =	vmov s15  }
0xe7: {  	v21 =	vshrl.u32 v59, $0x3  }
0xe8: {  	v21 =	vshll.u32 v21, v1  }
0xe9: {  	[tilespmem:v19+s23+$0x0] =	vst.idx.msk $0xffff, v18;
	v18 =	vbroadcast v21, $0x0  }
0xea: {  	[tilespmem:v17+s23+$0x0] =	vst.idx.msk $0xffff, v20  }
0xeb: {  	v17 =	vld [tilespmem:s1+$0xFFFFFF70];
	v19 =	vadd.s32 v7, v18  }
0xec: {  	s16 =	simm.s32 $0x4;
	v20 =	vld [tilespmem:s1+$0xFFFFFF80];
	v18 =	vadd.s32 v8, v18  }
0xed: {  	v60 =	vmov s16  }
0xee: {  	v21 =	vshrl.u32 v60, $0x3  }
0xef: {  	v21 =	vshll.u32 v21, v1  }
0xf0: {  	[tilespmem:v19+s23+$0x0] =	vst.idx.msk $0xffff, v17;
	v17 =	vbroadcast v21, $0x0  }
0xf1: {  	[tilespmem:v18+s23+$0x0] =	vst.idx.msk $0xffff, v20  }
0xf2: {  	v18 =	vld [tilespmem:s1+$0xFFFFFF90];
	v19 =	vadd.s32 v9, v17  }
0xf3: {  	s14 =	simm.s32 $0x5;
	v20 =	vld [tilespmem:s1+$0xFFFFFFA0];
	v17 =	vadd.s32 v10, v17  }
0xf4: {  	v61 =	vmov s14  }
0xf5: {  	v21 =	vshrl.u32 v61, $0x3  }
0xf6: {  	v21 =	vshll.u32 v21, v1  }
0xf7: {  	[tilespmem:v19+s23+$0x0] =	vst.idx.msk $0xffff, v18;
	v18 =	vbroadcast v21, $0x0  }
0xf8: {  	[tilespmem:v17+s23+$0x0] =	vst.idx.msk $0xffff, v20  }
0xf9: {  	v17 =	vld [tilespmem:s1+$0xFFFFFFB0];
	v19 =	vadd.s32 v11, v18  }
0xfa: {  	s15 =	simm.s32 $0x6;
	v20 =	vld [tilespmem:s1+$0xFFFFFFC0];
	v18 =	vadd.s32 v12, v18  }
0xfb: {  	v62 =	vmov s15  }
0xfc: {  	v21 =	vshrl.u32 v62, $0x3  }
0xfd: {  	v21 =	vshll.u32 v21, v1  }
0xfe: {  	[tilespmem:v19+s23+$0x0] =	vst.idx.msk $0xffff, v17;
	v17 =	vbroadcast v21, $0x0  }
0xff: {  	[tilespmem:v18+s23+$0x0] =	vst.idx.msk $0xffff, v20  }
0x100: {  	v18 =	vld [tilespmem:s1+$0xFFFFFFD0];
	v19 =	vadd.s32 v13, v17  }
0x101: {  	s16 =	simm.s32 $0x7;
	v20 =	vld [tilespmem:s1+$0xFFFFFFE0];
	v17 =	vadd.s32 v14, v17  }
0x102: {  	v63 =	vmov s16  }
0x103: {  	v21 =	vshrl.u32 v63, $0x3  }
0x104: {  	v21 =	vshll.u32 v21, v1  }
0x105: {  	[tilespmem:v19+s23+$0x0] =	vst.idx.msk $0xffff, v18;
	v19 =	vbroadcast v21, $0x0  }
0x106: {  	[tilespmem:v17+s23+$0x0] =	vst.idx.msk $0xffff, v20  }
0x107: {  	v20 =	vld [tilespmem:s1+$0xFFFFFFF0];
	v21 =	vadd.s32 v15, v19  }
0x108: {  	s12 =	simm.s32 $0x8  }
0x109: {  	v17 =	vmov s12;
	v18 =	vld [tilespmem:s1+$0x0];
	v19 =	vadd.s32 v16, v19  }
0x10a: {  	v17 =	vshrl.u32 v17, $0x3  }
0x10b: {  	v17 =	vshll.u32 v17, v1  }
0x10c: {  	s14 =	simm.s32 $0x10;
	v17 =	vbroadcast v17, $0x0;
	[tilespmem:v21+s23+$0x0] =	vst.idx.msk $0xffff, v20  }
.LBB2_7:
0x10d: {  	p1 =	slt.u32 s14, $0x78  }
0x10e: {  	[tilespmem:v19+s23+$0x0] =	vst.idx.msk $0xffff, v18;
	s1 =	sadd.s32 $0x100, s1;
	s15 =	smov.u32 s14;
	s14 =	sadd.s32 $0x8, s14  }
0x10f: {  	v18 =	vld [tilespmem:s1+$0xFFFFFF10];
	v19 =	vadd.s32 v0, v17  }
0x110: {  	s16 =	sadd.s32 $0x1, s12;
	v17 =	vadd.s32 v2, v17;
	v20 =	vld [tilespmem:s1+$0xFFFFFF20]  }
0x111: {  	v21 =	vmov s16  }
0x112: {  	v21 =	vshrl.u32 v21, $0x3  }
0x113: {  	v21 =	vshll.u32 v21, v1  }
0x114: {  	[tilespmem:v19+s23+$0x0] =	vst.idx.msk $0xffff, v18;
	v18 =	vbroadcast v21, $0x0  }
0x115: {  	[tilespmem:v17+s23+$0x0] =	vst.idx.msk $0xffff, v20  }
0x116: {  	v17 =	vld [tilespmem:s1+$0xFFFFFF30];
	v19 =	vadd.s32 v3, v18  }
0x117: {  	s16 =	sadd.s32 $0x2, s12;
	v18 =	vadd.s32 v4, v18;
	v20 =	vld [tilespmem:s1+$0xFFFFFF40]  }
0x118: {  	v21 =	vmov s16  }
0x119: {  	v21 =	vshrl.u32 v21, $0x3  }
0x11a: {  	v21 =	vshll.u32 v21, v1  }
0x11b: {  	[tilespmem:v19+s23+$0x0] =	vst.idx.msk $0xffff, v17;
	v17 =	vbroadcast v21, $0x0  }
0x11c: {  	[tilespmem:v18+s23+$0x0] =	vst.idx.msk $0xffff, v20  }
0x11d: {  	v18 =	vld [tilespmem:s1+$0xFFFFFF50];
	v19 =	vadd.s32 v5, v17  }
0x11e: {  	s16 =	sadd.s32 $0x3, s12;
	v17 =	vadd.s32 v6, v17;
	v20 =	vld [tilespmem:s1+$0xFFFFFF60]  }
0x11f: {  	v21 =	vmov s16  }
0x120: {  	v21 =	vshrl.u32 v21, $0x3  }
0x121: {  	v21 =	vshll.u32 v21, v1  }
0x122: {  	[tilespmem:v19+s23+$0x0] =	vst.idx.msk $0xffff, v18;
	v18 =	vbroadcast v21, $0x0  }
0x123: {  	[tilespmem:v17+s23+$0x0] =	vst.idx.msk $0xffff, v20  }
0x124: {  	v17 =	vld [tilespmem:s1+$0xFFFFFF70];
	v19 =	vadd.s32 v7, v18  }
0x125: {  	s16 =	sadd.s32 $0x4, s12;
	v18 =	vadd.s32 v8, v18;
	v20 =	vld [tilespmem:s1+$0xFFFFFF80]  }
0x126: {  	v21 =	vmov s16  }
0x127: {  	v21 =	vshrl.u32 v21, $0x3  }
0x128: {  	v21 =	vshll.u32 v21, v1  }
0x129: {  	[tilespmem:v19+s23+$0x0] =	vst.idx.msk $0xffff, v17;
	v17 =	vbroadcast v21, $0x0  }
0x12a: {  	[tilespmem:v18+s23+$0x0] =	vst.idx.msk $0xffff, v20  }
0x12b: {  	v18 =	vld [tilespmem:s1+$0xFFFFFF90];
	v19 =	vadd.s32 v9, v17  }
0x12c: {  	s16 =	sadd.s32 $0x5, s12;
	v17 =	vadd.s32 v10, v17;
	v20 =	vld [tilespmem:s1+$0xFFFFFFA0]  }
0x12d: {  	v21 =	vmov s16  }
0x12e: {  	v21 =	vshrl.u32 v21, $0x3  }
0x12f: {  	v21 =	vshll.u32 v21, v1  }
0x130: {  	[tilespmem:v19+s23+$0x0] =	vst.idx.msk $0xffff, v18;
	v18 =	vbroadcast v21, $0x0  }
0x131: {  	[tilespmem:v17+s23+$0x0] =	vst.idx.msk $0xffff, v20  }
0x132: {  	v17 =	vld [tilespmem:s1+$0xFFFFFFB0];
	v19 =	vadd.s32 v11, v18  }
0x133: {  	s16 =	sadd.s32 $0x6, s12;
	v18 =	vadd.s32 v12, v18;
	v20 =	vld [tilespmem:s1+$0xFFFFFFC0]  }
0x134: {  	v21 =	vmov s16  }
0x135: {  	v21 =	vshrl.u32 v21, $0x3  }
0x136: {  	v21 =	vshll.u32 v21, v1  }
0x137: {  	[tilespmem:v19+s23+$0x0] =	vst.idx.msk $0xffff, v17;
	v17 =	vbroadcast v21, $0x0  }
0x138: {  	[tilespmem:v18+s23+$0x0] =	vst.idx.msk $0xffff, v20  }
0x139: {  	v18 =	vld [tilespmem:s1+$0xFFFFFFD0];
	v19 =	vadd.s32 v13, v17  }
0x13a: {  	s16 =	sadd.s32 $0x7, s12;
	s12 =	smov.u32 s15;
	v17 =	vadd.s32 v14, v17;
	v20 =	vld [tilespmem:s1+$0xFFFFFFE0]  }
0x13b: {  	v21 =	vmov s16  }
0x13c: {  	v21 =	vshrl.u32 v21, $0x3  }
0x13d: {  	v21 =	vshll.u32 v21, v1  }
0x13e: {  	[tilespmem:v19+s23+$0x0] =	vst.idx.msk $0xffff, v18;
	v19 =	vbroadcast v21, $0x0  }
0x13f: {  	[tilespmem:v17+s23+$0x0] =	vst.idx.msk $0xffff, v20  }
0x140: {  	v20 =	vld [tilespmem:s1+$0xFFFFFFF0];
	v21 =	vadd.s32 v15, v19  }
.Ltmp2:
0x141: {  	v19 =	vadd.s32 v16, v19;
	v18 =	vld [tilespmem:s1+$0x0];
	(pc) =	sbr.rel @p1 .LBB2_7-.Ltmp2, $4  }
0x142: {  	v17 =	vmov s12  }
0x143: {  	v17 =	vshrl.u32 v17, $0x3  }
0x144: {  	v17 =	vshll.u32 v17, v1  }
0x145: {  	v17 =	vbroadcast v17, $0x0;
	[tilespmem:v21+s23+$0x0] =	vst.idx.msk $0xffff, v20  }
0x146: {  	_ =	sdelay $0x3  }
0x147: {  	[tilespmem:v19+s23+$0x0] =	vst.idx.msk $0xffff, v18;
	s1 =	sadd.s32 $0x100, s1  }
0x148: {  	v18 =	vld [tilespmem:s1+$0xFFFFFF10];
	v19 =	vadd.s32 v0, v17  }
0x149: {  	s14 =	sadd.s32 $0x1, s12;
	v20 =	vld [tilespmem:s1+$0xFFFFFF20];
	v17 =	vadd.s32 v2, v17  }
0x14a: {  	v21 =	vmov s14  }
0x14b: {  	v21 =	vshrl.u32 v21, $0x3  }
0x14c: {  	v21 =	vshll.u32 v21, v1  }
0x14d: {  	[tilespmem:v19+s23+$0x0] =	vst.idx.msk $0xffff, v18;
	v18 =	vbroadcast v21, $0x0  }
0x14e: {  	[tilespmem:v17+s23+$0x0] =	vst.idx.msk $0xffff, v20  }
0x14f: {  	v17 =	vld [tilespmem:s1+$0xFFFFFF30];
	v19 =	vadd.s32 v3, v18  }
0x150: {  	s15 =	sadd.s32 $0x2, s12;
	v20 =	vld [tilespmem:s1+$0xFFFFFF40];
	v18 =	vadd.s32 v4, v18  }
0x151: {  	v58 =	vmov s15  }
0x152: {  	v21 =	vshrl.u32 v58, $0x3  }
0x153: {  	v21 =	vshll.u32 v21, v1  }
0x154: {  	[tilespmem:v19+s23+$0x0] =	vst.idx.msk $0xffff, v17;
	v17 =	vbroadcast v21, $0x0  }
0x155: {  	[tilespmem:v18+s23+$0x0] =	vst.idx.msk $0xffff, v20  }
0x156: {  	v18 =	vld [tilespmem:s1+$0xFFFFFF50];
	v19 =	vadd.s32 v5, v17  }
0x157: {  	s16 =	sadd.s32 $0x3, s12;
	v20 =	vld [tilespmem:s1+$0xFFFFFF60];
	v17 =	vadd.s32 v6, v17  }
0x158: {  	v59 =	vmov s16  }
0x159: {  	v21 =	vshrl.u32 v59, $0x3  }
0x15a: {  	v21 =	vshll.u32 v21, v1  }
0x15b: {  	[tilespmem:v19+s23+$0x0] =	vst.idx.msk $0xffff, v18;
	v18 =	vbroadcast v21, $0x0  }
0x15c: {  	[tilespmem:v17+s23+$0x0] =	vst.idx.msk $0xffff, v20  }
0x15d: {  	v17 =	vld [tilespmem:s1+$0xFFFFFF70];
	v19 =	vadd.s32 v7, v18  }
0x15e: {  	s15 =	sadd.s32 $0x4, s12;
	v20 =	vld [tilespmem:s1+$0xFFFFFF80];
	v18 =	vadd.s32 v8, v18  }
0x15f: {  	v60 =	vmov s15  }
0x160: {  	v21 =	vshrl.u32 v60, $0x3  }
0x161: {  	v21 =	vshll.u32 v21, v1  }
0x162: {  	[tilespmem:v19+s23+$0x0] =	vst.idx.msk $0xffff, v17;
	v17 =	vbroadcast v21, $0x0  }
0x163: {  	[tilespmem:v18+s23+$0x0] =	vst.idx.msk $0xffff, v20  }
0x164: {  	v18 =	vld [tilespmem:s1+$0xFFFFFF90];
	v19 =	vadd.s32 v9, v17  }
0x165: {  	s16 =	sadd.s32 $0x5, s12;
	v20 =	vld [tilespmem:s1+$0xFFFFFFA0];
	v17 =	vadd.s32 v10, v17  }
0x166: {  	v61 =	vmov s16  }
0x167: {  	v21 =	vshrl.u32 v61, $0x3  }
0x168: {  	v21 =	vshll.u32 v21, v1  }
0x169: {  	[tilespmem:v19+s23+$0x0] =	vst.idx.msk $0xffff, v18;
	v18 =	vbroadcast v21, $0x0  }
0x16a: {  	[tilespmem:v17+s23+$0x0] =	vst.idx.msk $0xffff, v20  }
0x16b: {  	v17 =	vld [tilespmem:s1+$0xFFFFFFB0];
	v19 =	vadd.s32 v11, v18  }
0x16c: {  	s15 =	sadd.s32 $0x6, s12;
	v20 =	vld [tilespmem:s1+$0xFFFFFFC0];
	v18 =	vadd.s32 v12, v18  }
0x16d: {  	v62 =	vmov s15  }
0x16e: {  	v21 =	vshrl.u32 v62, $0x3  }
0x16f: {  	v21 =	vshll.u32 v21, v1  }
0x170: {  	[tilespmem:v19+s23+$0x0] =	vst.idx.msk $0xffff, v17;
	v17 =	vbroadcast v21, $0x0  }
0x171: {  	[tilespmem:v18+s23+$0x0] =	vst.idx.msk $0xffff, v20  }
0x172: {  	v18 =	vld [tilespmem:s1+$0xFFFFFFD0];
	v19 =	vadd.s32 v13, v17  }
0x173: {  	s16 =	sadd.s32 $0x7, s12;
	v20 =	vld [tilespmem:s1+$0xFFFFFFE0];
	v17 =	vadd.s32 v14, v17  }
0x174: {  	v63 =	vmov s16  }
0x175: {  	v21 =	vshrl.u32 v63, $0x3  }
0x176: {  	v21 =	vshll.u32 v21, v1  }
0x177: {  	[tilespmem:v19+s23+$0x0] =	vst.idx.msk $0xffff, v18;
	v18 =	vbroadcast v21, $0x0  }
0x178: {  	[tilespmem:v17+s23+$0x0] =	vst.idx.msk $0xffff, v20  }
0x179: {  	v17 =	vld [tilespmem:s1+$0xFFFFFFF0];
	v19 =	vadd.s32 v15, v18  }
0x17a: {  	v20 =	vld [tilespmem:s1+$0x0];
	v18 =	vadd.s32 v16, v18;
	_ =	sdelay $0x3  }
0x17b: {  	[tilespmem:v19+s23+$0x0] =	vst.idx.msk $0xffff, v17  }
0x17c: {  	s14 =	simm.s32 @!p0 $0x7400;
	s12 =	simm.s32 @!p0 $0x80;
	s1 =	sadd.s32 @!p0 $0x280, s31;
	[tilespmem:v18+s23+$0x0] =	vst.idx.msk $0xffff, v20  }
0x17d: {  	[tilespmem:s14], [sflag:$0x2] =	stream.indirect.gather @!p0 [hbm4b:s3+s12], $0x20, s1, s12, $0xb8;
	[tilespmem:$0xC800] =	vst v63  }
0x17e: {  	s15 =	simm.s32 $0xB690;
	s1 =	sadd.s32 s0, s7  }
0x17f: {  	s12 =	simm.s32 $0xB600;
	s14 =	simm.s32 $0x200;
	s16 =	sadd.s32 $0x0, s1  }
.LBB2_9:
0x180: {  	[hbm4b:s16+s2] =	stream.linear.scatter [tilespmem:s12], [sflag:$0x6], $0x80, $0x38;
	[tilespmem:$0xC800] =	vst v63  }
0x181: {  	s16 =	smov.u32 s14;
	s12 =	smov.u32 s15;
	p1 =	sne.s32 s14, $0x3E00  }
.Ltmp3:
0x182: {  	s14 =	sadd.s32 $0x200, s14;
	(pc) =	sbr.rel @p1 .LBB2_9-.Ltmp3, $2  }
0x183: {  	_ =	sdelay $0x2  }
0x184: {  	s15 =	sadd.s32 $0x90, s15;
	s16 =	sadd.s32 s16, s1  }
0x185: {  	[hbm4b:s16+s2] =	stream.linear.scatter [tilespmem:s12], [sflag:$0x6], $0x80, $0x38;
	[tilespmem:$0xC800] =	vst v63  }
0x186: {  	s1 =	simm.s32 $0x0;
	_ =	swait.ge [sflag:s24], $0x1000  }
0x187: {  	v17 =	vmov s1;
	[sflag:s24] =	ssyncset.done $0x0  }
0x188: {  	v17 =	vshrl.u32 v17, $0x3;
	[sflag:s24] =	ssyncadd.s32 $0xFFFFF000  }
0x189: {  	v17 =	vshll.u32 v17, v1;
	_ =	swait.ge [sflag:s25], $0x1000  }
0x18a: {  	v17 =	vbroadcast v17, $0x0;
	[sflag:s25] =	ssyncset.done $0x0  }
0x18b: {  	s1 =	simm.s32 $0x84F0;
	[sflag:s25] =	ssyncadd.s32 $0xFFFFF000  }
0x18c: {  	v19 =	vadd.s32 v0, v17;
	v18 =	vld [tilespmem:s1+$0xFFFFFF10]  }
0x18d: {  	s16 =	simm.s32 $0x1;
	v17 =	vadd.s32 v2, v17;
	v20 =	vld [tilespmem:s1+$0xFFFFFF20]  }
0x18e: {  	v21 =	vmov s16  }
0x18f: {  	v21 =	vshrl.u32 v21, $0x3  }
0x190: {  	v21 =	vshll.u32 v21, v1  }
0x191: {  	[tilespmem:v19+s21+$0x0] =	vst.idx.msk $0xffff, v18;
	v18 =	vbroadcast v21, $0x0  }
0x192: {  	[tilespmem:v17+s21+$0x0] =	vst.idx.msk $0xffff, v20  }
0x193: {  	v17 =	vld [tilespmem:s1+$0xFFFFFF30];
	v19 =	vadd.s32 v3, v18  }
0x194: {  	s14 =	simm.s32 $0x2;
	v20 =	vld [tilespmem:s1+$0xFFFFFF40];
	v18 =	vadd.s32 v4, v18  }
0x195: {  	v58 =	vmov s14  }
0x196: {  	v21 =	vshrl.u32 v58, $0x3  }
0x197: {  	v21 =	vshll.u32 v21, v1  }
0x198: {  	[tilespmem:v19+s21+$0x0] =	vst.idx.msk $0xffff, v17;
	v17 =	vbroadcast v21, $0x0  }
0x199: {  	[tilespmem:v18+s21+$0x0] =	vst.idx.msk $0xffff, v20  }
0x19a: {  	v18 =	vld [tilespmem:s1+$0xFFFFFF50];
	v19 =	vadd.s32 v5, v17  }
0x19b: {  	s15 =	simm.s32 $0x3;
	v20 =	vld [tilespmem:s1+$0xFFFFFF60];
	v17 =	vadd.s32 v6, v17  }
0x19c: {  	v59 =	vmov s15  }
0x19d: {  	v21 =	vshrl.u32 v59, $0x3  }
0x19e: {  	v21 =	vshll.u32 v21, v1  }
0x19f: {  	[tilespmem:v19+s21+$0x0] =	vst.idx.msk $0xffff, v18;
	v18 =	vbroadcast v21, $0x0  }
0x1a0: {  	[tilespmem:v17+s21+$0x0] =	vst.idx.msk $0xffff, v20  }
0x1a1: {  	v17 =	vld [tilespmem:s1+$0xFFFFFF70];
	v19 =	vadd.s32 v7, v18  }
0x1a2: {  	s16 =	simm.s32 $0x4;
	v20 =	vld [tilespmem:s1+$0xFFFFFF80];
	v18 =	vadd.s32 v8, v18  }
0x1a3: {  	v60 =	vmov s16  }
0x1a4: {  	v21 =	vshrl.u32 v60, $0x3  }
0x1a5: {  	v21 =	vshll.u32 v21, v1  }
0x1a6: {  	[tilespmem:v19+s21+$0x0] =	vst.idx.msk $0xffff, v17;
	v17 =	vbroadcast v21, $0x0  }
0x1a7: {  	[tilespmem:v18+s21+$0x0] =	vst.idx.msk $0xffff, v20  }
0x1a8: {  	v18 =	vld [tilespmem:s1+$0xFFFFFF90];
	v19 =	vadd.s32 v9, v17  }
0x1a9: {  	s14 =	simm.s32 $0x5;
	v20 =	vld [tilespmem:s1+$0xFFFFFFA0];
	v17 =	vadd.s32 v10, v17  }
0x1aa: {  	v61 =	vmov s14  }
0x1ab: {  	v21 =	vshrl.u32 v61, $0x3  }
0x1ac: {  	v21 =	vshll.u32 v21, v1  }
0x1ad: {  	[tilespmem:v19+s21+$0x0] =	vst.idx.msk $0xffff, v18;
	v18 =	vbroadcast v21, $0x0  }
0x1ae: {  	[tilespmem:v17+s21+$0x0] =	vst.idx.msk $0xffff, v20  }
0x1af: {  	v17 =	vld [tilespmem:s1+$0xFFFFFFB0];
	v19 =	vadd.s32 v11, v18  }
0x1b0: {  	s15 =	simm.s32 $0x6;
	v20 =	vld [tilespmem:s1+$0xFFFFFFC0];
	v18 =	vadd.s32 v12, v18  }
0x1b1: {  	v62 =	vmov s15  }
0x1b2: {  	v21 =	vshrl.u32 v62, $0x3  }
0x1b3: {  	v21 =	vshll.u32 v21, v1  }
0x1b4: {  	[tilespmem:v19+s21+$0x0] =	vst.idx.msk $0xffff, v17;
	v17 =	vbroadcast v21, $0x0  }
0x1b5: {  	[tilespmem:v18+s21+$0x0] =	vst.idx.msk $0xffff, v20  }
0x1b6: {  	v18 =	vld [tilespmem:s1+$0xFFFFFFD0];
	v19 =	vadd.s32 v13, v17  }
0x1b7: {  	s16 =	simm.s32 $0x7;
	v20 =	vld [tilespmem:s1+$0xFFFFFFE0];
	v17 =	vadd.s32 v14, v17  }
0x1b8: {  	v63 =	vmov s16  }
0x1b9: {  	v21 =	vshrl.u32 v63, $0x3  }
0x1ba: {  	v21 =	vshll.u32 v21, v1  }
0x1bb: {  	[tilespmem:v19+s21+$0x0] =	vst.idx.msk $0xffff, v18;
	v19 =	vbroadcast v21, $0x0  }
0x1bc: {  	[tilespmem:v17+s21+$0x0] =	vst.idx.msk $0xffff, v20  }
0x1bd: {  	v20 =	vld [tilespmem:s1+$0xFFFFFFF0];
	v21 =	vadd.s32 v15, v19  }
0x1be: {  	s12 =	simm.s32 $0x8  }
0x1bf: {  	v17 =	vmov s12;
	v18 =	vld [tilespmem:s1+$0x0];
	v19 =	vadd.s32 v16, v19  }
0x1c0: {  	v17 =	vshrl.u32 v17, $0x3  }
0x1c1: {  	v17 =	vshll.u32 v17, v1  }
0x1c2: {  	s14 =	simm.s32 $0x10;
	v17 =	vbroadcast v17, $0x0;
	[tilespmem:v21+s21+$0x0] =	vst.idx.msk $0xffff, v20  }
.LBB2_11:
0x1c3: {  	p1 =	slt.u32 s14, $0x78  }
0x1c4: {  	[tilespmem:v19+s21+$0x0] =	vst.idx.msk $0xffff, v18;
	s1 =	sadd.s32 $0x100, s1;
	s15 =	smov.u32 s14;
	s14 =	sadd.s32 $0x8, s14  }
0x1c5: {  	v18 =	vld [tilespmem:s1+$0xFFFFFF10];
	v19 =	vadd.s32 v0, v17  }
0x1c6: {  	s16 =	sadd.s32 $0x1, s12;
	v17 =	vadd.s32 v2, v17;
	v20 =	vld [tilespmem:s1+$0xFFFFFF20]  }
0x1c7: {  	v21 =	vmov s16  }
0x1c8: {  	v21 =	vshrl.u32 v21, $0x3  }
0x1c9: {  	v21 =	vshll.u32 v21, v1  }
0x1ca: {  	[tilespmem:v19+s21+$0x0] =	vst.idx.msk $0xffff, v18;
	v18 =	vbroadcast v21, $0x0  }
0x1cb: {  	[tilespmem:v17+s21+$0x0] =	vst.idx.msk $0xffff, v20  }
0x1cc: {  	v17 =	vld [tilespmem:s1+$0xFFFFFF30];
	v19 =	vadd.s32 v3, v18  }
0x1cd: {  	s16 =	sadd.s32 $0x2, s12;
	v18 =	vadd.s32 v4, v18;
	v20 =	vld [tilespmem:s1+$0xFFFFFF40]  }
0x1ce: {  	v21 =	vmov s16  }
0x1cf: {  	v21 =	vshrl.u32 v21, $0x3  }
0x1d0: {  	v21 =	vshll.u32 v21, v1  }
0x1d1: {  	[tilespmem:v19+s21+$0x0] =	vst.idx.msk $0xffff, v17;
	v17 =	vbroadcast v21, $0x0  }
0x1d2: {  	[tilespmem:v18+s21+$0x0] =	vst.idx.msk $0xffff, v20  }
0x1d3: {  	v18 =	vld [tilespmem:s1+$0xFFFFFF50];
	v19 =	vadd.s32 v5, v17  }
0x1d4: {  	s16 =	sadd.s32 $0x3, s12;
	v17 =	vadd.s32 v6, v17;
	v20 =	vld [tilespmem:s1+$0xFFFFFF60]  }
0x1d5: {  	v21 =	vmov s16  }
0x1d6: {  	v21 =	vshrl.u32 v21, $0x3  }
0x1d7: {  	v21 =	vshll.u32 v21, v1  }
0x1d8: {  	[tilespmem:v19+s21+$0x0] =	vst.idx.msk $0xffff, v18;
	v18 =	vbroadcast v21, $0x0  }
0x1d9: {  	[tilespmem:v17+s21+$0x0] =	vst.idx.msk $0xffff, v20  }
0x1da: {  	v17 =	vld [tilespmem:s1+$0xFFFFFF70];
	v19 =	vadd.s32 v7, v18  }
0x1db: {  	s16 =	sadd.s32 $0x4, s12;
	v18 =	vadd.s32 v8, v18;
	v20 =	vld [tilespmem:s1+$0xFFFFFF80]  }
0x1dc: {  	v21 =	vmov s16  }
0x1dd: {  	v21 =	vshrl.u32 v21, $0x3  }
0x1de: {  	v21 =	vshll.u32 v21, v1  }
0x1df: {  	[tilespmem:v19+s21+$0x0] =	vst.idx.msk $0xffff, v17;
	v17 =	vbroadcast v21, $0x0  }
0x1e0: {  	[tilespmem:v18+s21+$0x0] =	vst.idx.msk $0xffff, v20  }
0x1e1: {  	v18 =	vld [tilespmem:s1+$0xFFFFFF90];
	v19 =	vadd.s32 v9, v17  }
0x1e2: {  	s16 =	sadd.s32 $0x5, s12;
	v17 =	vadd.s32 v10, v17;
	v20 =	vld [tilespmem:s1+$0xFFFFFFA0]  }
0x1e3: {  	v21 =	vmov s16  }
0x1e4: {  	v21 =	vshrl.u32 v21, $0x3  }
0x1e5: {  	v21 =	vshll.u32 v21, v1  }
0x1e6: {  	[tilespmem:v19+s21+$0x0] =	vst.idx.msk $0xffff, v18;
	v18 =	vbroadcast v21, $0x0  }
0x1e7: {  	[tilespmem:v17+s21+$0x0] =	vst.idx.msk $0xffff, v20  }
0x1e8: {  	v17 =	vld [tilespmem:s1+$0xFFFFFFB0];
	v19 =	vadd.s32 v11, v18  }
0x1e9: {  	s16 =	sadd.s32 $0x6, s12;
	v18 =	vadd.s32 v12, v18;
	v20 =	vld [tilespmem:s1+$0xFFFFFFC0]  }
0x1ea: {  	v21 =	vmov s16  }
0x1eb: {  	v21 =	vshrl.u32 v21, $0x3  }
0x1ec: {  	v21 =	vshll.u32 v21, v1  }
0x1ed: {  	[tilespmem:v19+s21+$0x0] =	vst.idx.msk $0xffff, v17;
	v17 =	vbroadcast v21, $0x0  }
0x1ee: {  	[tilespmem:v18+s21+$0x0] =	vst.idx.msk $0xffff, v20  }
0x1ef: {  	v18 =	vld [tilespmem:s1+$0xFFFFFFD0];
	v19 =	vadd.s32 v13, v17  }
0x1f0: {  	s16 =	sadd.s32 $0x7, s12;
	s12 =	smov.u32 s15;
	v17 =	vadd.s32 v14, v17;
	v20 =	vld [tilespmem:s1+$0xFFFFFFE0]  }
0x1f1: {  	v21 =	vmov s16  }
0x1f2: {  	v21 =	vshrl.u32 v21, $0x3  }
0x1f3: {  	v21 =	vshll.u32 v21, v1  }
0x1f4: {  	[tilespmem:v19+s21+$0x0] =	vst.idx.msk $0xffff, v18;
	v19 =	vbroadcast v21, $0x0  }
0x1f5: {  	[tilespmem:v17+s21+$0x0] =	vst.idx.msk $0xffff, v20  }
0x1f6: {  	v20 =	vld [tilespmem:s1+$0xFFFFFFF0];
	v21 =	vadd.s32 v15, v19  }
.Ltmp4:
0x1f7: {  	v19 =	vadd.s32 v16, v19;
	v18 =	vld [tilespmem:s1+$0x0];
	(pc) =	sbr.rel @p1 .LBB2_11-.Ltmp4, $4  }
0x1f8: {  	v17 =	vmov s12  }
0x1f9: {  	v17 =	vshrl.u32 v17, $0x3  }
0x1fa: {  	v17 =	vshll.u32 v17, v1  }
0x1fb: {  	v17 =	vbroadcast v17, $0x0;
	[tilespmem:v21+s21+$0x0] =	vst.idx.msk $0xffff, v20  }
0x1fc: {  	_ =	sdelay $0x3  }
0x1fd: {  	[tilespmem:v19+s21+$0x0] =	vst.idx.msk $0xffff, v18;
	s1 =	sadd.s32 $0x100, s1  }
0x1fe: {  	v18 =	vld [tilespmem:s1+$0xFFFFFF10];
	v19 =	vadd.s32 v0, v17  }
0x1ff: {  	s14 =	sadd.s32 $0x1, s12;
	v20 =	vld [tilespmem:s1+$0xFFFFFF20];
	v17 =	vadd.s32 v2, v17  }
0x200: {  	v21 =	vmov s14  }
0x201: {  	v21 =	vshrl.u32 v21, $0x3  }
0x202: {  	v21 =	vshll.u32 v21, v1  }
0x203: {  	[tilespmem:v19+s21+$0x0] =	vst.idx.msk $0xffff, v18;
	v18 =	vbroadcast v21, $0x0  }
0x204: {  	[tilespmem:v17+s21+$0x0] =	vst.idx.msk $0xffff, v20  }
0x205: {  	v17 =	vld [tilespmem:s1+$0xFFFFFF30];
	v19 =	vadd.s32 v3, v18  }
0x206: {  	s15 =	sadd.s32 $0x2, s12;
	v20 =	vld [tilespmem:s1+$0xFFFFFF40];
	v18 =	vadd.s32 v4, v18  }
0x207: {  	v58 =	vmov s15  }
0x208: {  	v21 =	vshrl.u32 v58, $0x3  }
0x209: {  	v21 =	vshll.u32 v21, v1  }
0x20a: {  	[tilespmem:v19+s21+$0x0] =	vst.idx.msk $0xffff, v17;
	v17 =	vbroadcast v21, $0x0  }
0x20b: {  	[tilespmem:v18+s21+$0x0] =	vst.idx.msk $0xffff, v20  }
0x20c: {  	v18 =	vld [tilespmem:s1+$0xFFFFFF50];
	v19 =	vadd.s32 v5, v17  }
0x20d: {  	s16 =	sadd.s32 $0x3, s12;
	v20 =	vld [tilespmem:s1+$0xFFFFFF60];
	v17 =	vadd.s32 v6, v17  }
0x20e: {  	v59 =	vmov s16  }
0x20f: {  	v21 =	vshrl.u32 v59, $0x3  }
0x210: {  	v21 =	vshll.u32 v21, v1  }
0x211: {  	[tilespmem:v19+s21+$0x0] =	vst.idx.msk $0xffff, v18;
	v18 =	vbroadcast v21, $0x0  }
0x212: {  	[tilespmem:v17+s21+$0x0] =	vst.idx.msk $0xffff, v20  }
0x213: {  	v17 =	vld [tilespmem:s1+$0xFFFFFF70];
	v19 =	vadd.s32 v7, v18  }
0x214: {  	s15 =	sadd.s32 $0x4, s12;
	v20 =	vld [tilespmem:s1+$0xFFFFFF80];
	v18 =	vadd.s32 v8, v18  }
0x215: {  	v60 =	vmov s15  }
0x216: {  	v21 =	vshrl.u32 v60, $0x3  }
0x217: {  	v21 =	vshll.u32 v21, v1  }
0x218: {  	[tilespmem:v19+s21+$0x0] =	vst.idx.msk $0xffff, v17;
	v17 =	vbroadcast v21, $0x0  }
0x219: {  	[tilespmem:v18+s21+$0x0] =	vst.idx.msk $0xffff, v20  }
0x21a: {  	v18 =	vld [tilespmem:s1+$0xFFFFFF90];
	v19 =	vadd.s32 v9, v17  }
0x21b: {  	s16 =	sadd.s32 $0x5, s12;
	v20 =	vld [tilespmem:s1+$0xFFFFFFA0];
	v17 =	vadd.s32 v10, v17  }
0x21c: {  	v61 =	vmov s16  }
0x21d: {  	v21 =	vshrl.u32 v61, $0x3  }
0x21e: {  	v21 =	vshll.u32 v21, v1  }
0x21f: {  	[tilespmem:v19+s21+$0x0] =	vst.idx.msk $0xffff, v18;
	v18 =	vbroadcast v21, $0x0  }
0x220: {  	[tilespmem:v17+s21+$0x0] =	vst.idx.msk $0xffff, v20  }
0x221: {  	v17 =	vld [tilespmem:s1+$0xFFFFFFB0];
	v19 =	vadd.s32 v11, v18  }
0x222: {  	s15 =	sadd.s32 $0x6, s12;
	v20 =	vld [tilespmem:s1+$0xFFFFFFC0];
	v18 =	vadd.s32 v12, v18  }
0x223: {  	v62 =	vmov s15  }
0x224: {  	v21 =	vshrl.u32 v62, $0x3  }
0x225: {  	v21 =	vshll.u32 v21, v1  }
0x226: {  	[tilespmem:v19+s21+$0x0] =	vst.idx.msk $0xffff, v17;
	v17 =	vbroadcast v21, $0x0  }
0x227: {  	[tilespmem:v18+s21+$0x0] =	vst.idx.msk $0xffff, v20  }
0x228: {  	v18 =	vld [tilespmem:s1+$0xFFFFFFD0];
	v19 =	vadd.s32 v13, v17  }
0x229: {  	s16 =	sadd.s32 $0x7, s12;
	v20 =	vld [tilespmem:s1+$0xFFFFFFE0];
	v17 =	vadd.s32 v14, v17  }
0x22a: {  	v63 =	vmov s16  }
0x22b: {  	v21 =	vshrl.u32 v63, $0x3  }
0x22c: {  	v21 =	vshll.u32 v21, v1  }
0x22d: {  	[tilespmem:v19+s21+$0x0] =	vst.idx.msk $0xffff, v18;
	v18 =	vbroadcast v21, $0x0  }
0x22e: {  	[tilespmem:v17+s21+$0x0] =	vst.idx.msk $0xffff, v20  }
0x22f: {  	v17 =	vld [tilespmem:s1+$0xFFFFFFF0];
	v19 =	vadd.s32 v15, v18  }
0x230: {  	v20 =	vld [tilespmem:s1+$0x0];
	v18 =	vadd.s32 v16, v18;
	_ =	sdelay $0x3  }
0x231: {  	[tilespmem:v19+s21+$0x0] =	vst.idx.msk $0xffff, v17  }
0x232: {  	s14 =	simm.s32 @!p0 $0x8400;
	s12 =	simm.s32 @!p0 $0x80;
	s1 =	sadd.s32 @!p0 $0x300, s31;
	[tilespmem:v18+s21+$0x0] =	vst.idx.msk $0xffff, v20  }
0x233: {  	[tilespmem:s14], [sflag:$0x3] =	stream.indirect.gather @!p0 [hbm4b:s3+s12], $0x20, s1, s12, $0xb8;
	[tilespmem:$0xC800] =	vst v63  }
0x234: {  	s15 =	simm.s32 $0xA490;
	s1 =	sadd.s32 s0, s8  }
0x235: {  	s12 =	simm.s32 $0xA400;
	s14 =	simm.s32 $0x200;
	s16 =	sadd.s32 $0x0, s1  }
.LBB2_13:
0x236: {  	[hbm4b:s16+s2] =	stream.linear.scatter [tilespmem:s12], [sflag:$0x5], $0x80, $0x38;
	[tilespmem:$0xC800] =	vst v63  }
0x237: {  	s16 =	smov.u32 s14;
	s12 =	smov.u32 s15;
	p1 =	sne.s32 s14, $0x3E00  }
.Ltmp5:
0x238: {  	s14 =	sadd.s32 $0x200, s14;
	(pc) =	sbr.rel @p1 .LBB2_13-.Ltmp5, $2  }
0x239: {  	_ =	sdelay $0x2  }
0x23a: {  	s15 =	sadd.s32 $0x90, s15;
	s16 =	sadd.s32 s16, s1  }
0x23b: {  	[hbm4b:s16+s2] =	stream.linear.scatter [tilespmem:s12], [sflag:$0x5], $0x80, $0x38;
	[tilespmem:$0xC800] =	vst v63  }
0x23c: {  	s1 =	simm.s32 $0x0;
	_ =	swait.ge [sflag:s26], $0x1000  }
0x23d: {  	v17 =	vmov s1;
	[sflag:s26] =	ssyncset.done $0x0  }
0x23e: {  	v17 =	vshrl.u32 v17, $0x3;
	[sflag:s26] =	ssyncadd.s32 $0xFFFFF000  }
0x23f: {  	v17 =	vshll.u32 v17, v1;
	_ =	swait.ge [sflag:s28], $0x1000  }
0x240: {  	v17 =	vbroadcast v17, $0x0;
	[sflag:s28] =	ssyncset.done $0x0  }
0x241: {  	s1 =	simm.s32 $0x94F0;
	[sflag:s28] =	ssyncadd.s32 $0xFFFFF000  }
0x242: {  	v19 =	vadd.s32 v0, v17;
	v18 =	vld [tilespmem:s1+$0xFFFFFF10]  }
0x243: {  	s16 =	simm.s32 $0x1;
	v17 =	vadd.s32 v2, v17;
	v20 =	vld [tilespmem:s1+$0xFFFFFF20]  }
0x244: {  	v21 =	vmov s16  }
0x245: {  	v21 =	vshrl.u32 v21, $0x3  }
0x246: {  	v21 =	vshll.u32 v21, v1  }
0x247: {  	[tilespmem:v19+s23+$0x0] =	vst.idx.msk $0xffff, v18;
	v18 =	vbroadcast v21, $0x0  }
0x248: {  	[tilespmem:v17+s23+$0x0] =	vst.idx.msk $0xffff, v20  }
0x249: {  	v17 =	vld [tilespmem:s1+$0xFFFFFF30];
	v19 =	vadd.s32 v3, v18  }
0x24a: {  	s14 =	simm.s32 $0x2;
	v20 =	vld [tilespmem:s1+$0xFFFFFF40];
	v18 =	vadd.s32 v4, v18  }
0x24b: {  	v58 =	vmov s14  }
0x24c: {  	v21 =	vshrl.u32 v58, $0x3  }
0x24d: {  	v21 =	vshll.u32 v21, v1  }
0x24e: {  	[tilespmem:v19+s23+$0x0] =	vst.idx.msk $0xffff, v17;
	v17 =	vbroadcast v21, $0x0  }
0x24f: {  	[tilespmem:v18+s23+$0x0] =	vst.idx.msk $0xffff, v20  }
0x250: {  	v18 =	vld [tilespmem:s1+$0xFFFFFF50];
	v19 =	vadd.s32 v5, v17  }
0x251: {  	s15 =	simm.s32 $0x3;
	v20 =	vld [tilespmem:s1+$0xFFFFFF60];
	v17 =	vadd.s32 v6, v17  }
0x252: {  	v59 =	vmov s15  }
0x253: {  	v21 =	vshrl.u32 v59, $0x3  }
0x254: {  	v21 =	vshll.u32 v21, v1  }
0x255: {  	[tilespmem:v19+s23+$0x0] =	vst.idx.msk $0xffff, v18;
	v18 =	vbroadcast v21, $0x0  }
0x256: {  	[tilespmem:v17+s23+$0x0] =	vst.idx.msk $0xffff, v20  }
0x257: {  	v17 =	vld [tilespmem:s1+$0xFFFFFF70];
	v19 =	vadd.s32 v7, v18  }
0x258: {  	s16 =	simm.s32 $0x4;
	v20 =	vld [tilespmem:s1+$0xFFFFFF80];
	v18 =	vadd.s32 v8, v18  }
0x259: {  	v60 =	vmov s16  }
0x25a: {  	v21 =	vshrl.u32 v60, $0x3  }
0x25b: {  	v21 =	vshll.u32 v21, v1  }
0x25c: {  	[tilespmem:v19+s23+$0x0] =	vst.idx.msk $0xffff, v17;
	v17 =	vbroadcast v21, $0x0  }
0x25d: {  	[tilespmem:v18+s23+$0x0] =	vst.idx.msk $0xffff, v20  }
0x25e: {  	v18 =	vld [tilespmem:s1+$0xFFFFFF90];
	v19 =	vadd.s32 v9, v17  }
0x25f: {  	s14 =	simm.s32 $0x5;
	v20 =	vld [tilespmem:s1+$0xFFFFFFA0];
	v17 =	vadd.s32 v10, v17  }
0x260: {  	v61 =	vmov s14  }
0x261: {  	v21 =	vshrl.u32 v61, $0x3  }
0x262: {  	v21 =	vshll.u32 v21, v1  }
0x263: {  	[tilespmem:v19+s23+$0x0] =	vst.idx.msk $0xffff, v18;
	v18 =	vbroadcast v21, $0x0  }
0x264: {  	[tilespmem:v17+s23+$0x0] =	vst.idx.msk $0xffff, v20  }
0x265: {  	v17 =	vld [tilespmem:s1+$0xFFFFFFB0];
	v19 =	vadd.s32 v11, v18  }
0x266: {  	s15 =	simm.s32 $0x6;
	v20 =	vld [tilespmem:s1+$0xFFFFFFC0];
	v18 =	vadd.s32 v12, v18  }
0x267: {  	v62 =	vmov s15  }
0x268: {  	v21 =	vshrl.u32 v62, $0x3  }
0x269: {  	v21 =	vshll.u32 v21, v1  }
0x26a: {  	[tilespmem:v19+s23+$0x0] =	vst.idx.msk $0xffff, v17;
	v17 =	vbroadcast v21, $0x0  }
0x26b: {  	[tilespmem:v18+s23+$0x0] =	vst.idx.msk $0xffff, v20  }
0x26c: {  	v18 =	vld [tilespmem:s1+$0xFFFFFFD0];
	v19 =	vadd.s32 v13, v17  }
0x26d: {  	s16 =	simm.s32 $0x7;
	v20 =	vld [tilespmem:s1+$0xFFFFFFE0];
	v17 =	vadd.s32 v14, v17  }
0x26e: {  	v63 =	vmov s16  }
0x26f: {  	v21 =	vshrl.u32 v63, $0x3  }
0x270: {  	v21 =	vshll.u32 v21, v1  }
0x271: {  	[tilespmem:v19+s23+$0x0] =	vst.idx.msk $0xffff, v18;
	v19 =	vbroadcast v21, $0x0  }
0x272: {  	[tilespmem:v17+s23+$0x0] =	vst.idx.msk $0xffff, v20  }
0x273: {  	v20 =	vld [tilespmem:s1+$0xFFFFFFF0];
	v21 =	vadd.s32 v15, v19  }
0x274: {  	s12 =	simm.s32 $0x8  }
0x275: {  	v17 =	vmov s12;
	v18 =	vld [tilespmem:s1+$0x0];
	v19 =	vadd.s32 v16, v19  }
0x276: {  	v17 =	vshrl.u32 v17, $0x3  }
0x277: {  	v17 =	vshll.u32 v17, v1  }
0x278: {  	s14 =	simm.s32 $0x10;
	v17 =	vbroadcast v17, $0x0;
	[tilespmem:v21+s23+$0x0] =	vst.idx.msk $0xffff, v20  }
.LBB2_15:
0x279: {  	p1 =	slt.u32 s14, $0x78  }
0x27a: {  	[tilespmem:v19+s23+$0x0] =	vst.idx.msk $0xffff, v18;
	s1 =	sadd.s32 $0x100, s1;
	s15 =	smov.u32 s14;
	s14 =	sadd.s32 $0x8, s14  }
0x27b: {  	v18 =	vld [tilespmem:s1+$0xFFFFFF10];
	v19 =	vadd.s32 v0, v17  }
0x27c: {  	s16 =	sadd.s32 $0x1, s12;
	v17 =	vadd.s32 v2, v17;
	v20 =	vld [tilespmem:s1+$0xFFFFFF20]  }
0x27d: {  	v21 =	vmov s16  }
0x27e: {  	v21 =	vshrl.u32 v21, $0x3  }
0x27f: {  	v21 =	vshll.u32 v21, v1  }
0x280: {  	[tilespmem:v19+s23+$0x0] =	vst.idx.msk $0xffff, v18;
	v18 =	vbroadcast v21, $0x0  }
0x281: {  	[tilespmem:v17+s23+$0x0] =	vst.idx.msk $0xffff, v20  }
0x282: {  	v17 =	vld [tilespmem:s1+$0xFFFFFF30];
	v19 =	vadd.s32 v3, v18  }
0x283: {  	s16 =	sadd.s32 $0x2, s12;
	v18 =	vadd.s32 v4, v18;
	v20 =	vld [tilespmem:s1+$0xFFFFFF40]  }
0x284: {  	v21 =	vmov s16  }
0x285: {  	v21 =	vshrl.u32 v21, $0x3  }
0x286: {  	v21 =	vshll.u32 v21, v1  }
0x287: {  	[tilespmem:v19+s23+$0x0] =	vst.idx.msk $0xffff, v17;
	v17 =	vbroadcast v21, $0x0  }
0x288: {  	[tilespmem:v18+s23+$0x0] =	vst.idx.msk $0xffff, v20  }
0x289: {  	v18 =	vld [tilespmem:s1+$0xFFFFFF50];
	v19 =	vadd.s32 v5, v17  }
0x28a: {  	s16 =	sadd.s32 $0x3, s12;
	v17 =	vadd.s32 v6, v17;
	v20 =	vld [tilespmem:s1+$0xFFFFFF60]  }
0x28b: {  	v21 =	vmov s16  }
0x28c: {  	v21 =	vshrl.u32 v21, $0x3  }
0x28d: {  	v21 =	vshll.u32 v21, v1  }
0x28e: {  	[tilespmem:v19+s23+$0x0] =	vst.idx.msk $0xffff, v18;
	v18 =	vbroadcast v21, $0x0  }
0x28f: {  	[tilespmem:v17+s23+$0x0] =	vst.idx.msk $0xffff, v20  }
0x290: {  	v17 =	vld [tilespmem:s1+$0xFFFFFF70];
	v19 =	vadd.s32 v7, v18  }
0x291: {  	s16 =	sadd.s32 $0x4, s12;
	v18 =	vadd.s32 v8, v18;
	v20 =	vld [tilespmem:s1+$0xFFFFFF80]  }
0x292: {  	v21 =	vmov s16  }
0x293: {  	v21 =	vshrl.u32 v21, $0x3  }
0x294: {  	v21 =	vshll.u32 v21, v1  }
0x295: {  	[tilespmem:v19+s23+$0x0] =	vst.idx.msk $0xffff, v17;
	v17 =	vbroadcast v21, $0x0  }
0x296: {  	[tilespmem:v18+s23+$0x0] =	vst.idx.msk $0xffff, v20  }
0x297: {  	v18 =	vld [tilespmem:s1+$0xFFFFFF90];
	v19 =	vadd.s32 v9, v17  }
0x298: {  	s16 =	sadd.s32 $0x5, s12;
	v17 =	vadd.s32 v10, v17;
	v20 =	vld [tilespmem:s1+$0xFFFFFFA0]  }
0x299: {  	v21 =	vmov s16  }
0x29a: {  	v21 =	vshrl.u32 v21, $0x3  }
0x29b: {  	v21 =	vshll.u32 v21, v1  }
0x29c: {  	[tilespmem:v19+s23+$0x0] =	vst.idx.msk $0xffff, v18;
	v18 =	vbroadcast v21, $0x0  }
0x29d: {  	[tilespmem:v17+s23+$0x0] =	vst.idx.msk $0xffff, v20  }
0x29e: {  	v17 =	vld [tilespmem:s1+$0xFFFFFFB0];
	v19 =	vadd.s32 v11, v18  }
0x29f: {  	s16 =	sadd.s32 $0x6, s12;
	v18 =	vadd.s32 v12, v18;
	v20 =	vld [tilespmem:s1+$0xFFFFFFC0]  }
0x2a0: {  	v21 =	vmov s16  }
0x2a1: {  	v21 =	vshrl.u32 v21, $0x3  }
0x2a2: {  	v21 =	vshll.u32 v21, v1  }
0x2a3: {  	[tilespmem:v19+s23+$0x0] =	vst.idx.msk $0xffff, v17;
	v17 =	vbroadcast v21, $0x0  }
0x2a4: {  	[tilespmem:v18+s23+$0x0] =	vst.idx.msk $0xffff, v20  }
0x2a5: {  	v18 =	vld [tilespmem:s1+$0xFFFFFFD0];
	v19 =	vadd.s32 v13, v17  }
0x2a6: {  	s16 =	sadd.s32 $0x7, s12;
	s12 =	smov.u32 s15;
	v17 =	vadd.s32 v14, v17;
	v20 =	vld [tilespmem:s1+$0xFFFFFFE0]  }
0x2a7: {  	v21 =	vmov s16  }
0x2a8: {  	v21 =	vshrl.u32 v21, $0x3  }
0x2a9: {  	v21 =	vshll.u32 v21, v1  }
0x2aa: {  	[tilespmem:v19+s23+$0x0] =	vst.idx.msk $0xffff, v18;
	v19 =	vbroadcast v21, $0x0  }
0x2ab: {  	[tilespmem:v17+s23+$0x0] =	vst.idx.msk $0xffff, v20  }
0x2ac: {  	v20 =	vld [tilespmem:s1+$0xFFFFFFF0];
	v21 =	vadd.s32 v15, v19  }
.Ltmp6:
0x2ad: {  	v19 =	vadd.s32 v16, v19;
	v18 =	vld [tilespmem:s1+$0x0];
	(pc) =	sbr.rel @p1 .LBB2_15-.Ltmp6, $4  }
0x2ae: {  	v17 =	vmov s12  }
0x2af: {  	v17 =	vshrl.u32 v17, $0x3  }
0x2b0: {  	v17 =	vshll.u32 v17, v1  }
0x2b1: {  	v17 =	vbroadcast v17, $0x0;
	[tilespmem:v21+s23+$0x0] =	vst.idx.msk $0xffff, v20  }
0x2b2: {  	_ =	sdelay $0x3  }
0x2b3: {  	[tilespmem:v19+s23+$0x0] =	vst.idx.msk $0xffff, v18;
	s1 =	sadd.s32 $0x100, s1  }
0x2b4: {  	v18 =	vld [tilespmem:s1+$0xFFFFFF10];
	v19 =	vadd.s32 v0, v17  }
0x2b5: {  	s14 =	sadd.s32 $0x1, s12;
	v20 =	vld [tilespmem:s1+$0xFFFFFF20];
	v17 =	vadd.s32 v2, v17  }
0x2b6: {  	v21 =	vmov s14  }
0x2b7: {  	v21 =	vshrl.u32 v21, $0x3  }
0x2b8: {  	v21 =	vshll.u32 v21, v1  }
0x2b9: {  	[tilespmem:v19+s23+$0x0] =	vst.idx.msk $0xffff, v18;
	v18 =	vbroadcast v21, $0x0  }
0x2ba: {  	[tilespmem:v17+s23+$0x0] =	vst.idx.msk $0xffff, v20  }
0x2bb: {  	v17 =	vld [tilespmem:s1+$0xFFFFFF30];
	v19 =	vadd.s32 v3, v18  }
0x2bc: {  	s15 =	sadd.s32 $0x2, s12;
	v20 =	vld [tilespmem:s1+$0xFFFFFF40];
	v18 =	vadd.s32 v4, v18  }
0x2bd: {  	v58 =	vmov s15  }
0x2be: {  	v21 =	vshrl.u32 v58, $0x3  }
0x2bf: {  	v21 =	vshll.u32 v21, v1  }
0x2c0: {  	[tilespmem:v19+s23+$0x0] =	vst.idx.msk $0xffff, v17;
	v17 =	vbroadcast v21, $0x0  }
0x2c1: {  	[tilespmem:v18+s23+$0x0] =	vst.idx.msk $0xffff, v20  }
0x2c2: {  	v18 =	vld [tilespmem:s1+$0xFFFFFF50];
	v19 =	vadd.s32 v5, v17  }
0x2c3: {  	s16 =	sadd.s32 $0x3, s12;
	v20 =	vld [tilespmem:s1+$0xFFFFFF60];
	v17 =	vadd.s32 v6, v17  }
0x2c4: {  	v59 =	vmov s16  }
0x2c5: {  	v21 =	vshrl.u32 v59, $0x3  }
0x2c6: {  	v21 =	vshll.u32 v21, v1  }
0x2c7: {  	[tilespmem:v19+s23+$0x0] =	vst.idx.msk $0xffff, v18;
	v18 =	vbroadcast v21, $0x0  }
0x2c8: {  	[tilespmem:v17+s23+$0x0] =	vst.idx.msk $0xffff, v20  }
0x2c9: {  	v17 =	vld [tilespmem:s1+$0xFFFFFF70];
	v19 =	vadd.s32 v7, v18  }
0x2ca: {  	s15 =	sadd.s32 $0x4, s12;
	v20 =	vld [tilespmem:s1+$0xFFFFFF80];
	v18 =	vadd.s32 v8, v18  }
0x2cb: {  	v60 =	vmov s15  }
0x2cc: {  	v21 =	vshrl.u32 v60, $0x3  }
0x2cd: {  	v21 =	vshll.u32 v21, v1  }
0x2ce: {  	[tilespmem:v19+s23+$0x0] =	vst.idx.msk $0xffff, v17;
	v17 =	vbroadcast v21, $0x0  }
0x2cf: {  	[tilespmem:v18+s23+$0x0] =	vst.idx.msk $0xffff, v20  }
0x2d0: {  	v18 =	vld [tilespmem:s1+$0xFFFFFF90];
	v19 =	vadd.s32 v9, v17  }
0x2d1: {  	s16 =	sadd.s32 $0x5, s12;
	v20 =	vld [tilespmem:s1+$0xFFFFFFA0];
	v17 =	vadd.s32 v10, v17  }
0x2d2: {  	v61 =	vmov s16  }
0x2d3: {  	v21 =	vshrl.u32 v61, $0x3  }
0x2d4: {  	v21 =	vshll.u32 v21, v1  }
0x2d5: {  	[tilespmem:v19+s23+$0x0] =	vst.idx.msk $0xffff, v18;
	v18 =	vbroadcast v21, $0x0  }
0x2d6: {  	[tilespmem:v17+s23+$0x0] =	vst.idx.msk $0xffff, v20  }
0x2d7: {  	v17 =	vld [tilespmem:s1+$0xFFFFFFB0];
	v19 =	vadd.s32 v11, v18  }
0x2d8: {  	s15 =	sadd.s32 $0x6, s12;
	v20 =	vld [tilespmem:s1+$0xFFFFFFC0];
	v18 =	vadd.s32 v12, v18  }
0x2d9: {  	v62 =	vmov s15  }
0x2da: {  	v21 =	vshrl.u32 v62, $0x3  }
0x2db: {  	v21 =	vshll.u32 v21, v1  }
0x2dc: {  	[tilespmem:v19+s23+$0x0] =	vst.idx.msk $0xffff, v17;
	v17 =	vbroadcast v21, $0x0  }
0x2dd: {  	[tilespmem:v18+s23+$0x0] =	vst.idx.msk $0xffff, v20  }
0x2de: {  	v18 =	vld [tilespmem:s1+$0xFFFFFFD0];
	v19 =	vadd.s32 v13, v17  }
0x2df: {  	s16 =	sadd.s32 $0x7, s12;
	v20 =	vld [tilespmem:s1+$0xFFFFFFE0];
	v17 =	vadd.s32 v14, v17  }
0x2e0: {  	v63 =	vmov s16  }
0x2e1: {  	v21 =	vshrl.u32 v63, $0x3  }
0x2e2: {  	v21 =	vshll.u32 v21, v1  }
0x2e3: {  	[tilespmem:v19+s23+$0x0] =	vst.idx.msk $0xffff, v18;
	v18 =	vbroadcast v21, $0x0  }
0x2e4: {  	[tilespmem:v17+s23+$0x0] =	vst.idx.msk $0xffff, v20  }
0x2e5: {  	v17 =	vld [tilespmem:s1+$0xFFFFFFF0];
	v19 =	vadd.s32 v15, v18  }
0x2e6: {  	v20 =	vld [tilespmem:s1+$0x0];
	v18 =	vadd.s32 v16, v18;
	_ =	sdelay $0x3  }
0x2e7: {  	s0 =	sadd.s32 s0, s9;
	s14 =	simm.s32 @!p0 $0x9400;
	[tilespmem:v19+s23+$0x0] =	vst.idx.msk $0xffff, v17  }
0x2e8: {  	s12 =	simm.s32 @!p0 $0x80;
	s15 =	sadd.s32 $0x0, s0;
	s1 =	sadd.s32 @!p0 $0x380, s31;
	[tilespmem:v18+s23+$0x0] =	vst.idx.msk $0xffff, v20  }
0x2e9: {  	[tilespmem:s14], [sflag:$0x4] =	stream.indirect.gather @!p0 [hbm4b:s3+s12], $0x20, s1, s12, $0xb8;
	[tilespmem:$0xC800] =	vst v63  }
0x2ea: {  	s1 =	simm.s32 $0xB600;
	s12 =	simm.s32 $0x200;
	s14 =	simm.s32 $0xB690  }
.LBB2_17:
0x2eb: {  	[hbm4b:s15+s2] =	stream.linear.scatter [tilespmem:s1], [sflag:$0x6], $0x80, $0x38;
	[tilespmem:$0xC800] =	vst v63  }
0x2ec: {  	s15 =	smov.u32 s12;
	s1 =	smov.u32 s14;
	p0 =	sne.s32 s12, $0x3E00  }
.Ltmp7:
0x2ed: {  	s12 =	sadd.s32 $0x200, s12;
	(pc) =	sbr.rel @p0 .LBB2_17-.Ltmp7, $2  }
0x2ee: {  	_ =	sdelay $0x2  }
0x2ef: {  	s14 =	sadd.s32 $0x90, s14;
	s15 =	sadd.s32 s15, s0  }
0x2f0: {  	s30 =	sadd.s32 $0x1, s30  }
0x2f1: {  	p0 =	sne.s32 s30, $0x32  }
.Ltmp8:
0x2f2: {  	_ = 	snop;
	(pc) =	sbr.rel @p0 .LBB2_2-.Ltmp8, $2  }
0x2f3: {  	_ =	sdelay $0x2  }
0x2f4: {  	[hbm4b:s15+s2] =	stream.linear.scatter [tilespmem:s1], [sflag:$0x6], $0x80, $0x38;
	[tilespmem:$0xC800] =	vst v63  }
0x2f5: {  	s29 =	sadd.s32 $0x1, s29  }
0x2f6: {  	_ =	swait.ge [sflag:s25], $0x1000;
	p0 =	sne.s32 s29, s10  }
.Ltmp9:
0x2f7: {  	[sflag:s25] =	ssyncset.done $0x0;
	(pc) =	sbr.rel @p0 .LBB2_1-.Ltmp9, $4  }
0x2f8: {  	[sflag:s25] =	ssyncadd.s32 $0xFFFFF000  }
0x2f9: {  	_ =	swait.ge [sflag:s28], $0x1000  }
0x2fa: {  	[sflag:s28] =	ssyncset.done $0x0  }
0x2fb: {  	[sflag:s28] =	ssyncadd.s32 $0xFFFFF000  }
0x2fc: {  	_ =	sfence.sel $0x180000  }
0x2fd: {  	[bflag:$0x0] =	sbarrier.arrive $0xFFFF  }
0x2fe: {  	_ =	strace $0x90000047  }
0x2ff: {  	s0 =	stileid.u32;
	[bflag:$0x2] =	sbarrier.arrive $0xFFFF  }
0x300: {  	p0 =	sne.s32 s0, $0x0;
	s0 =	rddreg [dreg:$0x2]  }
0x301: {  	s0 =	sadd.s32 @!p0 $0x100000, s0  }
0x302: {  	[sflag:s0] =	ssyncadd.tile.s32 @!p0 $0x1;
	_ =	shalt  }
.Lfunc_end2:
_tile_overlayer_lowered:
.L_overlay_start_2:
0x303: {  	(tag) =	ssettag $0x2  }
0x304: {  	s0 =	rddreg [dreg:$0x0];
	s2 =	stileid.u32  }
0x305: {  	s1 =	rddreg [dreg:$0x1];
	p0 =	sne.s32 s2, $0x0  }
0x306: {  	s3 =	rddreg [dreg:$0x2];
	[bflag:$0x3] =	sbarrier.arrive $0xFFFF;
	s2 =	simm.s32 @!p0 $0x1C07  }
0x307: {  	[timem:s3], [sflag:s2] =	dma.local @!p0 [hbm:s0], s1  }
0x308: {  	s0 =	simm.s32 @!p0 $0x7  }
0x309: {  	_ =	swait.ge @!p0 [sflag:s0], s1  }
0x30a: {  	s1 =	ssub.s32 @!p0 $0x0, s1;
	[sflag:s0] =	ssyncset.done @!p0 $0x0  }
0x30b: {  	[sflag:s0] =	ssyncadd.s32 @!p0 s1  }
0x30c: {  	[bflag:$0x3] =	sbarrier.arrive $0xFFFF  }
0x30d: {  	_ =	shalt  }

</sc_bundles>
